<compile_context>
chip_gen: v7x
topology: tpu7x:2x2x1
jax: 0.10.2.dev20260603
libtpu: 0.0.44.dev20260713+nightly
codegen_flags: <defaults>
</compile_context>

<pallas_src>
import functools

import jax
import jax.numpy as jnp
import numpy as np
from jax import lax
from jax.experimental import pallas as pl
from jax.experimental.pallas import tpu as pltpu
from jax.experimental.pallas import tpu_sc as plsc

N = 10000
D = 128
E = 320000
CHUNK = 128
GCH = 64
NWORKERS = 32
ROWS_PER_W = 80
IDXBLK = 40
EP = NWORKERS * ROWS_PER_W * CHUNK
PAD = EP - E
NSUB = 16
NP = 10240
STRIPE = NP // NSUB


def _sc_body(nodes_h, snd_h, rcv_h, zp_h, zd_h, one_h, pout_h, dout_h,
             p_sh, d_sh, snd_v, rcv_v, rows0, rows1, rows2, rows3, ones_v,
             sem0, sem1, sem2, sem3):
    cid = lax.axis_index("c")
    sid = lax.axis_index("s")
    wid = sid * 2 + cid
    rows_b = (rows0, rows1, rows2, rows3)
    sem_b = (sem0, sem1, sem2, sem3)

    pltpu.sync_copy(one_h, ones_v)
    zcopies = [(zd_h, d_sh.at[pl.ds(sid * STRIPE, STRIPE)])]
    for k in range(STRIPE // CHUNK):
        zcopies.append(
            (zp_h, p_sh.at[pl.ds(sid * STRIPE + k * CHUNK, CHUNK)]))
    for i, (src, dst) in enumerate(zcopies):
        pltpu.async_copy(src, dst, sem_b[i % 4])
    for i, (src, dst) in enumerate(zcopies):
        pltpu.make_async_copy(src, dst, sem_b[i % 4]).wait()
    plsc.subcore_barrier()

    def stage_idx(h):
        src = pl.ds(wid * ROWS_PER_W + h * IDXBLK, IDXBLK)
        pltpu.sync_copy(snd_h.at[src], snd_v)
        pltpu.sync_copy(rcv_h.at[src], rcv_v)

    def fire(t, b):
        idx = snd_v.at[t // 2, pl.ds((t % 2) * GCH, GCH)]
        pltpu.async_copy(nodes_h.at[idx], rows_b[b], sem_b[b])

    def drain_scatter(t, b):
        idx = snd_v.at[t // 2, pl.ds((t % 2) * GCH, GCH)]
        pltpu.make_async_copy(nodes_h.at[idx], rows_b[b], sem_b[b]).wait()
        ridx = rcv_v.at[t // 2, pl.ds((t % 2) * GCH, GCH)]
        pltpu.sync_copy(rows_b[b], p_sh.at[ridx], add=True)
        pltpu.sync_copy(ones_v, d_sh.at[ridx], add=True)

    TOPS = 2 * IDXBLK

    def half(h, carry):
        stage_idx(h)
        for k in range(4):
            fire(k, k)

        def group(g, c):
            for k in range(4):
                drain_scatter(4 * g + k, k)
                fire(4 * g + 4 + k, k)
            return c

        lax.fori_loop(0, TOPS // 4 - 2, group, carry)
        for k in range(4):
            drain_scatter(TOPS - 8 + k, k)
            fire(TOPS - 4 + k, k)
        for k in range(4):
            drain_scatter(TOPS - 4 + k, k)
        return carry

    lax.fori_loop(0, ROWS_PER_W // IDXBLK, half, 0)
    plsc.subcore_barrier()

    wcopies = [(d_sh.at[pl.ds(sid * STRIPE, STRIPE)],
                dout_h.at[pl.ds(cid * NP + sid * STRIPE, STRIPE)])]
    for k in range(STRIPE // CHUNK):
        src = pl.ds(sid * STRIPE + k * CHUNK, CHUNK)
        dst = pl.ds(cid * NP + sid * STRIPE + k * CHUNK, CHUNK)
        wcopies.append((p_sh.at[src], pout_h.at[dst]))
    for i, (src, dst) in enumerate(wcopies):
        pltpu.async_copy(src, dst, sem_b[i % 4])
    for i, (src, dst) in enumerate(wcopies):
        pltpu.make_async_copy(src, dst, sem_b[i % 4]).wait()


_sc_scatter = functools.partial(
    pl.kernel,
    mesh=plsc.VectorSubcoreMesh(core_axis_name="c", subcore_axis_name="s"),
    out_type=[
        jax.ShapeDtypeStruct((2 * NP, D), jnp.float32),
        jax.ShapeDtypeStruct((2 * NP,), jnp.float32),
    ],
    scratch_types=[
        pltpu.VMEM_SHARED((NP, D), jnp.float32),
        pltpu.VMEM_SHARED((NP,), jnp.float32),
        pltpu.VMEM((IDXBLK, CHUNK), jnp.int32),
        pltpu.VMEM((IDXBLK, CHUNK), jnp.int32),
        pltpu.VMEM((GCH, D), jnp.float32),
        pltpu.VMEM((GCH, D), jnp.float32),
        pltpu.VMEM((GCH, D), jnp.float32),
        pltpu.VMEM((GCH, D), jnp.float32),
        pltpu.VMEM((GCH,), jnp.float32),
        pltpu.SemaphoreType.DMA,
        pltpu.SemaphoreType.DMA,
        pltpu.SemaphoreType.DMA,
        pltpu.SemaphoreType.DMA,
    ],
)(_sc_body)

_PAD_RCV = np.int32(N) + (np.arange(PAD, dtype=np.int32) % np.int32(NP - N))
_PAD_SND = (np.arange(PAD, dtype=np.int32) * np.int32(1009)) % np.int32(N)


def _tc_body(p_ref, d_ref, nodes_ref, w_ref, b_ref, o_ref):
    u = p_ref[:N, :] + p_ref[NP:NP + N, :]
    deg = (d_ref[:N] + d_ref[NP:NP + N]).reshape(N, 1)
    w1 = w_ref[:D, :]
    w2 = w_ref[D:, :]
    z = jnp.dot(nodes_ref[...], w2, preferred_element_type=jnp.float32)
    out = jnp.dot(u, w1 - w2, preferred_element_type=jnp.float32)
    o_ref[...] = out + deg * (z + b_ref[...])


def kernel(nodes, senders, receivers, W, b):
    snd = jnp.concatenate(
        [senders.astype(jnp.int32), jnp.asarray(_PAD_SND)]
    ).reshape(EP // CHUNK, CHUNK)
    rcv = jnp.concatenate(
        [receivers.astype(jnp.int32), jnp.asarray(_PAD_RCV)]
    ).reshape(EP // CHUNK, CHUNK)
    zp = jnp.zeros((CHUNK, D), jnp.float32)
    zd = jnp.zeros((STRIPE,), jnp.float32)
    one = jnp.ones((GCH,), jnp.float32)
    p01, d01 = _sc_scatter(nodes, snd, rcv, zp, zd, one)
    out = pl.pallas_call(
        _tc_body,
        out_shape=jax.ShapeDtypeStruct((N, D), jnp.float32),
    )(p01, d01, nodes, W, b.reshape(1, D))
    return out

# --- scband reference (transcript-rebuilt; emitter-appended) ---
"""Pipeline reference for scband-edge-conv-86277303042058 (READ-ONLY COPY).

The authoritative reference and input builder live on the scoring server;
editing this copy changes nothing except your own understanding.
"""

import jax, jax.numpy as jnp
import numpy as np

N_NODES = 10000
N_EDGES = 320000
D_FEAT = 128

def setup_inputs(seed: int = 0) -> dict:
    key = jax.random.key(seed)
    k1, k2, k3, k4 = jax.random.split(key, 4)
    nodes = jax.random.normal(k1, (N_NODES, D_FEAT), dtype=jnp.float32)
    senders = jax.random.randint(k2, (N_EDGES,), 0, N_NODES)
    receivers = jax.random.randint(k3, (N_EDGES,), 0, N_NODES)
    # Learned params for nn = hk.Linear(128): maps [E, 2*d] -> [E, d]
    W = jax.random.normal(k4, (2 * D_FEAT, D_FEAT), dtype=jnp.float32) / np.sqrt(2.0 * D_FEAT)
    b = jnp.zeros((D_FEAT,), dtype=jnp.float32)
    return {"nodes": nodes, "senders": senders, "receivers": receivers, "W": W, "b": b}

def reference(nodes, senders, receivers, W, b):
    # EdgeConv forward: h = [h_j || h_i - h_j], messages = nn(h), out = scatter_add by receiver
    h_senders = jnp.take(nodes, senders, axis=0)
    h_receivers = jnp.take(nodes, receivers, axis=0)
    h = jnp.concatenate((h_senders, h_receivers - h_senders), axis=-1)
    messages = h @ W + b
    out = jax.ops.segment_sum(messages, receivers, num_segments=nodes.shape[0])
    return out

if __name__ == "__main__":
    import jax
    _d = setup_inputs()
    print(jax.jit(kernel)(*tuple(_d.values())))

</pallas_src>

<mosaic_0001>
#map = affine_map<(d0, d1) -> (0, 0)>
#map1 = affine_map<(d0, d1) -> (0)>
module attributes {stable_mosaic.version = 14 : i64} {
  func.func @_sc_body(%arg0: i32, %arg1: i32, %arg2: memref<10000x128xf32, #tpu.memory_space<hbm>>, %arg3: memref<2560x128xi32, #tpu.memory_space<hbm>>, %arg4: memref<2560x128xi32, #tpu.memory_space<hbm>>, %arg5: memref<128x128xf32, #tpu.memory_space<hbm>>, %arg6: memref<640xf32, #tpu.memory_space<hbm>>, %arg7: memref<64xf32, #tpu.memory_space<hbm>>, %arg8: memref<20480x128xf32, #tpu.memory_space<hbm>>, %arg9: memref<20480xf32, #tpu.memory_space<hbm>>, %arg10: memref<10240x128xf32, #tpu.memory_space<vmem_shared>>, %arg11: memref<10240xf32, #tpu.memory_space<vmem_shared>>, %arg12: memref<40x128xi32, #tpu.memory_space<vmem>>, %arg13: memref<40x128xi32, #tpu.memory_space<vmem>>, %arg14: memref<64x128xf32, #tpu.memory_space<vmem>>, %arg15: memref<64x128xf32, #tpu.memory_space<vmem>>, %arg16: memref<64x128xf32, #tpu.memory_space<vmem>>, %arg17: memref<64x128xf32, #tpu.memory_space<vmem>>, %arg18: memref<64xf32, #tpu.memory_space<vmem>>, %arg19: memref<!tpu.dma_semaphore, #tpu.memory_space<semaphore_mem>>, %arg20: memref<!tpu.dma_semaphore, #tpu.memory_space<semaphore_mem>>, %arg21: memref<!tpu.dma_semaphore, #tpu.memory_space<semaphore_mem>>, %arg22: memref<!tpu.dma_semaphore, #tpu.memory_space<semaphore_mem>>) attributes {dimension_semantics = [#tpu.dimension_semantics<core_parallel>, #tpu.dimension_semantics<subcore_parallel>], iteration_bounds = array<i64: 2, 16>, scalar_prefetch = 0 : i64, scratch_operands = 13 : i64, tpu.core_type = #tpu.core_type<sc_vector_subcore>, window_params = [{transform_indices = #map}, {transform_indices = #map}, {transform_indices = #map}, {transform_indices = #map}, {transform_indices = #map1}, {transform_indices = #map1}, {transform_indices = #map}, {transform_indices = #map1}]} {
    %mul3A = arith.constant 2 : i32
    %mul3A_0 = arith.muli %arg1, %mul3A : i32
    %add3A = arith.addi %mul3A_0, %arg0 : i32
    "tpu.region"() ({
      %run_scoped3A = tpu.sem_alloc : memref<!tpu.dma_semaphore, #tpu.memory_space<semaphore_mem>>
      tpu.enqueue_dma source(%arg7 : memref<64xf32, #tpu.memory_space<hbm>>) target(%arg18 : memref<64xf32, #tpu.memory_space<vmem>>) target_semaphore(%run_scoped3A : memref<!tpu.dma_semaphore, #tpu.memory_space<semaphore_mem>>)
      tpu.wait_dma2 semaphore(%run_scoped3A : memref<!tpu.dma_semaphore, #tpu.memory_space<semaphore_mem>>) src(%arg7 : memref<64xf32, #tpu.memory_space<hbm>>) dst(%arg18 : memref<64xf32, #tpu.memory_space<vmem>>)
      tpu.yield
    }) : () -> ()
    %mul3A_1 = arith.constant 640 : i32
    %mul3A_2 = arith.muli %arg1, %mul3A_1 : i32
    %mul3A_3 = arith.constant 640 : i32
    %mul3A_4 = arith.muli %arg1, %mul3A_3 : i32
    %add3A_5 = arith.constant 0 : i32
    %add3A_6 = arith.addi %mul3A_4, %add3A_5 : i32
    %mul3A_7 = arith.constant 640 : i32
    %mul3A_8 = arith.muli %arg1, %mul3A_7 : i32
    %add3A_9 = arith.constant 128 : i32
    %add3A_10 = arith.addi %mul3A_8, %add3A_9 : i32
    %mul3A_11 = arith.constant 640 : i32
    %mul3A_12 = arith.muli %arg1, %mul3A_11 : i32
    %add3A_13 = arith.constant 256 : i32
    %add3A_14 = arith.addi %mul3A_12, %add3A_13 : i32
    %mul3A_15 = arith.constant 640 : i32
    %mul3A_16 = arith.muli %arg1, %mul3A_15 : i32
    %add3A_17 = arith.constant 384 : i32
    %add3A_18 = arith.addi %mul3A_16, %add3A_17 : i32
    %mul3A_19 = arith.constant 640 : i32
    %mul3A_20 = arith.muli %arg1, %mul3A_19 : i32
    %add3A_21 = arith.constant 512 : i32
    %add3A_22 = arith.addi %mul3A_20, %add3A_21 : i32
    %dma_start3A = tpu.memref_slice %arg11[%mul3A_2] : memref<10240xf32, #tpu.memory_space<vmem_shared>> -> memref<640xf32, #tpu.memory_space<vmem_shared>>
    tpu.enqueue_dma source(%arg6 : memref<640xf32, #tpu.memory_space<hbm>>) target(%dma_start3A : memref<640xf32, #tpu.memory_space<vmem_shared>>) target_semaphore(%arg19 : memref<!tpu.dma_semaphore, #tpu.memory_space<semaphore_mem>>)
    %dma_start3A_23 = arith.constant 0 : i32
    %dma_start3A_24 = tpu.memref_slice %arg10[%add3A_6, %dma_start3A_23] : memref<10240x128xf32, #tpu.memory_space<vmem_shared>> -> memref<128x128xf32, #tpu.memory_space<vmem_shared>>
    tpu.enqueue_dma source(%arg5 : memref<128x128xf32, #tpu.memory_space<hbm>>) target(%dma_start3A_24 : memref<128x128xf32, #tpu.memory_space<vmem_shared>>) target_semaphore(%arg20 : memref<!tpu.dma_semaphore, #tpu.memory_space<semaphore_mem>>)
    %dma_start3A_25 = arith.constant 0 : i32
    %dma_start3A_26 = tpu.memref_slice %arg10[%add3A_10, %dma_start3A_25] : memref<10240x128xf32, #tpu.memory_space<vmem_shared>> -> memref<128x128xf32, #tpu.memory_space<vmem_shared>>
    tpu.enqueue_dma source(%arg5 : memref<128x128xf32, #tpu.memory_space<hbm>>) target(%dma_start3A_26 : memref<128x128xf32, #tpu.memory_space<vmem_shared>>) target_semaphore(%arg21 : memref<!tpu.dma_semaphore, #tpu.memory_space<semaphore_mem>>)
    %dma_start3A_27 = arith.constant 0 : i32
    %dma_start3A_28 = tpu.memref_slice %arg10[%add3A_14, %dma_start3A_27] : memref<10240x128xf32, #tpu.memory_space<vmem_shared>> -> memref<128x128xf32, #tpu.memory_space<vmem_shared>>
    tpu.enqueue_dma source(%arg5 : memref<128x128xf32, #tpu.memory_space<hbm>>) target(%dma_start3A_28 : memref<128x128xf32, #tpu.memory_space<vmem_shared>>) target_semaphore(%arg22 : memref<!tpu.dma_semaphore, #tpu.memory_space<semaphore_mem>>)
    %dma_start3A_29 = arith.constant 0 : i32
    %dma_start3A_30 = tpu.memref_slice %arg10[%add3A_18, %dma_start3A_29] : memref<10240x128xf32, #tpu.memory_space<vmem_shared>> -> memref<128x128xf32, #tpu.memory_space<vmem_shared>>
    tpu.enqueue_dma source(%arg5 : memref<128x128xf32, #tpu.memory_space<hbm>>) target(%dma_start3A_30 : memref<128x128xf32, #tpu.memory_space<vmem_shared>>) target_semaphore(%arg19 : memref<!tpu.dma_semaphore, #tpu.memory_space<semaphore_mem>>)
    %dma_start3A_31 = arith.constant 0 : i32
    %dma_start3A_32 = tpu.memref_slice %arg10[%add3A_22, %dma_start3A_31] : memref<10240x128xf32, #tpu.memory_space<vmem_shared>> -> memref<128x128xf32, #tpu.memory_space<vmem_shared>>
    tpu.enqueue_dma source(%arg5 : memref<128x128xf32, #tpu.memory_space<hbm>>) target(%dma_start3A_32 : memref<128x128xf32, #tpu.memory_space<vmem_shared>>) target_semaphore(%arg20 : memref<!tpu.dma_semaphore, #tpu.memory_space<semaphore_mem>>)
    %dma_wait3A = tpu.memref_slice %arg11[%mul3A_2] : memref<10240xf32, #tpu.memory_space<vmem_shared>> -> memref<640xf32, #tpu.memory_space<vmem_shared>>
    tpu.wait_dma2 semaphore(%arg19 : memref<!tpu.dma_semaphore, #tpu.memory_space<semaphore_mem>>) src(%arg6 : memref<640xf32, #tpu.memory_space<hbm>>) dst(%dma_wait3A : memref<640xf32, #tpu.memory_space<vmem_shared>>)
    %dma_wait3A_33 = arith.constant 0 : i32
    %dma_wait3A_34 = tpu.memref_slice %arg10[%add3A_6, %dma_wait3A_33] : memref<10240x128xf32, #tpu.memory_space<vmem_shared>> -> memref<128x128xf32, #tpu.memory_space<vmem_shared>>
    tpu.wait_dma2 semaphore(%arg20 : memref<!tpu.dma_semaphore, #tpu.memory_space<semaphore_mem>>) src(%arg5 : memref<128x128xf32, #tpu.memory_space<hbm>>) dst(%dma_wait3A_34 : memref<128x128xf32, #tpu.memory_space<vmem_shared>>)
    %dma_wait3A_35 = arith.constant 0 : i32
    %dma_wait3A_36 = tpu.memref_slice %arg10[%add3A_10, %dma_wait3A_35] : memref<10240x128xf32, #tpu.memory_space<vmem_shared>> -> memref<128x128xf32, #tpu.memory_space<vmem_shared>>
    tpu.wait_dma2 semaphore(%arg21 : memref<!tpu.dma_semaphore, #tpu.memory_space<semaphore_mem>>) src(%arg5 : memref<128x128xf32, #tpu.memory_space<hbm>>) dst(%dma_wait3A_36 : memref<128x128xf32, #tpu.memory_space<vmem_shared>>)
    %dma_wait3A_37 = arith.constant 0 : i32
    %dma_wait3A_38 = tpu.memref_slice %arg10[%add3A_14, %dma_wait3A_37] : memref<10240x128xf32, #tpu.memory_space<vmem_shared>> -> memref<128x128xf32, #tpu.memory_space<vmem_shared>>
    tpu.wait_dma2 semaphore(%arg22 : memref<!tpu.dma_semaphore, #tpu.memory_space<semaphore_mem>>) src(%arg5 : memref<128x128xf32, #tpu.memory_space<hbm>>) dst(%dma_wait3A_38 : memref<128x128xf32, #tpu.memory_space<vmem_shared>>)
    %dma_wait3A_39 = arith.constant 0 : i32
    %dma_wait3A_40 = tpu.memref_slice %arg10[%add3A_18, %dma_wait3A_39] : memref<10240x128xf32, #tpu.memory_space<vmem_shared>> -> memref<128x128xf32, #tpu.memory_space<vmem_shared>>
    tpu.wait_dma2 semaphore(%arg19 : memref<!tpu.dma_semaphore, #tpu.memory_space<semaphore_mem>>) src(%arg5 : memref<128x128xf32, #tpu.memory_space<hbm>>) dst(%dma_wait3A_40 : memref<128x128xf32, #tpu.memory_space<vmem_shared>>)
    %dma_wait3A_41 = arith.constant 0 : i32
    %dma_wait3A_42 = tpu.memref_slice %arg10[%add3A_22, %dma_wait3A_41] : memref<10240x128xf32, #tpu.memory_space<vmem_shared>> -> memref<128x128xf32, #tpu.memory_space<vmem_shared>>
    tpu.wait_dma2 semaphore(%arg20 : memref<!tpu.dma_semaphore, #tpu.memory_space<semaphore_mem>>) src(%arg5 : memref<128x128xf32, #tpu.memory_space<hbm>>) dst(%dma_wait3A_42 : memref<128x128xf32, #tpu.memory_space<vmem_shared>>)
    %barrier3A = arith.constant 0 : index
    tpu.barrier barrier_id(%barrier3A)
    %scan3A = arith.constant 0 : i32
    %scan3A_43 = arith.constant 0 : i32
    %scan3A_44 = arith.constant 2 : i32
    %scan3A_45 = arith.addi %scan3A_43, %scan3A_44 : i32
    %scan3A_46 = arith.constant 1 : i32
    scf.for %scan3A_155 = %scan3A_43 to %scan3A_45 step %scan3A_46  : i32 {
      %mul3A_156 = arith.constant 80 : i32
      %mul3A_157 = arith.muli %add3A, %mul3A_156 : i32
      %mul3A_158 = arith.constant 40 : i32
      %mul3A_159 = arith.muli %scan3A_155, %mul3A_158 : i32
      %add3A_160 = arith.addi %mul3A_157, %mul3A_159 : i32
      "tpu.region"() ({
        %run_scoped3A_293 = tpu.sem_alloc : memref<!tpu.dma_semaphore, #tpu.memory_space<semaphore_mem>>
        %dma_start3A_294 = arith.constant 0 : i32
        %dma_start3A_295 = tpu.memref_slice %arg3[%add3A_160, %dma_start3A_294] : memref<2560x128xi32, #tpu.memory_space<hbm>> -> memref<40x128xi32, #tpu.memory_space<hbm>>
        %dma_start3A_296 = arith.constant 0 : i32
        %dma_start3A_297 = tpu.memref_slice %arg3[%add3A_160, %dma_start3A_296] : memref<2560x128xi32, #tpu.memory_space<hbm>> -> memref<40x128xi32, #tpu.memory_space<hbm>>
        tpu.enqueue_dma source(%dma_start3A_297 : memref<40x128xi32, #tpu.memory_space<hbm>>) target(%arg12 : memref<40x128xi32, #tpu.memory_space<vmem>>) target_semaphore(%run_scoped3A_293 : memref<!tpu.dma_semaphore, #tpu.memory_space<semaphore_mem>>)
        %dma_wait3A_298 = arith.constant 0 : i32
        %dma_wait3A_299 = tpu.memref_slice %arg3[%add3A_160, %dma_wait3A_298] : memref<2560x128xi32, #tpu.memory_space<hbm>> -> memref<40x128xi32, #tpu.memory_space<hbm>>
        %dma_wait3A_300 = arith.constant 0 : i32
        %dma_wait3A_301 = tpu.memref_slice %arg3[%add3A_160, %dma_wait3A_300] : memref<2560x128xi32, #tpu.memory_space<hbm>> -> memref<40x128xi32, #tpu.memory_space<hbm>>
        tpu.wait_dma2 semaphore(%run_scoped3A_293 : memref<!tpu.dma_semaphore, #tpu.memory_space<semaphore_mem>>) src(%dma_wait3A_301 : memref<40x128xi32, #tpu.memory_space<hbm>>) dst(%arg12 : memref<40x128xi32, #tpu.memory_space<vmem>>)
        tpu.yield
      }) : () -> ()
      "tpu.region"() ({
        %run_scoped3A_293 = tpu.sem_alloc : memref<!tpu.dma_semaphore, #tpu.memory_space<semaphore_mem>>
        %dma_start3A_294 = arith.constant 0 : i32
        %dma_start3A_295 = tpu.memref_slice %arg4[%add3A_160, %dma_start3A_294] : memref<2560x128xi32, #tpu.memory_space<hbm>> -> memref<40x128xi32, #tpu.memory_space<hbm>>
        %dma_start3A_296 = arith.constant 0 : i32
        %dma_start3A_297 = tpu.memref_slice %arg4[%add3A_160, %dma_start3A_296] : memref<2560x128xi32, #tpu.memory_space<hbm>> -> memref<40x128xi32, #tpu.memory_space<hbm>>
        tpu.enqueue_dma source(%dma_start3A_297 : memref<40x128xi32, #tpu.memory_space<hbm>>) target(%arg13 : memref<40x128xi32, #tpu.memory_space<vmem>>) target_semaphore(%run_scoped3A_293 : memref<!tpu.dma_semaphore, #tpu.memory_space<semaphore_mem>>)
        %dma_wait3A_298 = arith.constant 0 : i32
        %dma_wait3A_299 = tpu.memref_slice %arg4[%add3A_160, %dma_wait3A_298] : memref<2560x128xi32, #tpu.memory_space<hbm>> -> memref<40x128xi32, #tpu.memory_space<hbm>>
        %dma_wait3A_300 = arith.constant 0 : i32
        %dma_wait3A_301 = tpu.memref_slice %arg4[%add3A_160, %dma_wait3A_300] : memref<2560x128xi32, #tpu.memory_space<hbm>> -> memref<40x128xi32, #tpu.memory_space<hbm>>
        tpu.wait_dma2 semaphore(%run_scoped3A_293 : memref<!tpu.dma_semaphore, #tpu.memory_space<semaphore_mem>>) src(%dma_wait3A_301 : memref<40x128xi32, #tpu.memory_space<hbm>>) dst(%arg13 : memref<40x128xi32, #tpu.memory_space<vmem>>)
        tpu.yield
      }) : () -> ()
      %dma_start3A_161 = arith.constant 0 : i32
      %dma_start3A_162 = arith.constant 0 : i32
      %dma_start3A_163 = tpu.memref_slice %arg12[%dma_start3A_161, %dma_start3A_162] : memref<40x128xi32, #tpu.memory_space<vmem>> -> memref<1x64xi32, #tpu.memory_space<vmem>>
      %dma_start3A_164 = tpu.memref_squeeze %dma_start3A_163 : memref<1x64xi32, #tpu.memory_space<vmem>> -> memref<64xi32, #tpu.memory_space<vmem>>
      %dma_start3A_165 = arith.constant 0 : i32
      %dma_start3A_166 = arith.constant 0 : i32
      %dma_start3A_167 = tpu.memref_slice %arg2[%dma_start3A_165, %dma_start3A_166] : memref<10000x128xf32, #tpu.memory_space<hbm>> -> memref<10000x128xf32, #tpu.memory_space<hbm>>
      tpu.enqueue_indirect_dma source(%dma_start3A_167 : memref<10000x128xf32, #tpu.memory_space<hbm>>) target(%arg14 : memref<64x128xf32, #tpu.memory_space<vmem>>) offsets(%dma_start3A_164 : memref<64xi32, #tpu.memory_space<vmem>>) semaphore(%arg19 : memref<!tpu.dma_semaphore, #tpu.memory_space<semaphore_mem>>)
      %dma_start3A_168 = arith.constant 0 : i32
      %dma_start3A_169 = arith.constant 64 : i32
      %dma_start3A_170 = tpu.memref_slice %arg12[%dma_start3A_168, %dma_start3A_169] : memref<40x128xi32, #tpu.memory_space<vmem>> -> memref<1x64xi32, #tpu.memory_space<vmem>>
      %dma_start3A_171 = tpu.memref_squeeze %dma_start3A_170 : memref<1x64xi32, #tpu.memory_space<vmem>> -> memref<64xi32, #tpu.memory_space<vmem>>
      %dma_start3A_172 = arith.constant 0 : i32
      %dma_start3A_173 = arith.constant 0 : i32
      %dma_start3A_174 = tpu.memref_slice %arg2[%dma_start3A_172, %dma_start3A_173] : memref<10000x128xf32, #tpu.memory_space<hbm>> -> memref<10000x128xf32, #tpu.memory_space<hbm>>
      tpu.enqueue_indirect_dma source(%dma_start3A_174 : memref<10000x128xf32, #tpu.memory_space<hbm>>) target(%arg15 : memref<64x128xf32, #tpu.memory_space<vmem>>) offsets(%dma_start3A_171 : memref<64xi32, #tpu.memory_space<vmem>>) semaphore(%arg20 : memref<!tpu.dma_semaphore, #tpu.memory_space<semaphore_mem>>)
      %dma_start3A_175 = arith.constant 1 : i32
      %dma_start3A_176 = arith.constant 0 : i32
      %dma_start3A_177 = tpu.memref_slice %arg12[%dma_start3A_175, %dma_start3A_176] : memref<40x128xi32, #tpu.memory_space<vmem>> -> memref<1x64xi32, #tpu.memory_space<vmem>>
      %dma_start3A_178 = tpu.memref_squeeze %dma_start3A_177 : memref<1x64xi32, #tpu.memory_space<vmem>> -> memref<64xi32, #tpu.memory_space<vmem>>
      %dma_start3A_179 = arith.constant 0 : i32
      %dma_start3A_180 = arith.constant 0 : i32
      %dma_start3A_181 = tpu.memref_slice %arg2[%dma_start3A_179, %dma_start3A_180] : memref<10000x128xf32, #tpu.memory_space<hbm>> -> memref<10000x128xf32, #tpu.memory_space<hbm>>
      tpu.enqueue_indirect_dma source(%dma_start3A_181 : memref<10000x128xf32, #tpu.memory_space<hbm>>) target(%arg16 : memref<64x128xf32, #tpu.memory_space<vmem>>) offsets(%dma_start3A_178 : memref<64xi32, #tpu.memory_space<vmem>>) semaphore(%arg21 : memref<!tpu.dma_semaphore, #tpu.memory_space<semaphore_mem>>)
      %dma_start3A_182 = arith.constant 1 : i32
      %dma_start3A_183 = arith.constant 64 : i32
      %dma_start3A_184 = tpu.memref_slice %arg12[%dma_start3A_182, %dma_start3A_183] : memref<40x128xi32, #tpu.memory_space<vmem>> -> memref<1x64xi32, #tpu.memory_space<vmem>>
      %dma_start3A_185 = tpu.memref_squeeze %dma_start3A_184 : memref<1x64xi32, #tpu.memory_space<vmem>> -> memref<64xi32, #tpu.memory_space<vmem>>
      %dma_start3A_186 = arith.constant 0 : i32
      %dma_start3A_187 = arith.constant 0 : i32
      %dma_start3A_188 = tpu.memref_slice %arg2[%dma_start3A_186, %dma_start3A_187] : memref<10000x128xf32, #tpu.memory_space<hbm>> -> memref<10000x128xf32, #tpu.memory_space<hbm>>
      tpu.enqueue_indirect_dma source(%dma_start3A_188 : memref<10000x128xf32, #tpu.memory_space<hbm>>) target(%arg17 : memref<64x128xf32, #tpu.memory_space<vmem>>) offsets(%dma_start3A_185 : memref<64xi32, #tpu.memory_space<vmem>>) semaphore(%arg22 : memref<!tpu.dma_semaphore, #tpu.memory_space<semaphore_mem>>)
      %scan3A_189 = arith.constant 0 : i32
      %scan3A_190 = arith.constant 18 : i32
      %scan3A_191 = arith.addi %scan3A_189, %scan3A_190 : i32
      %scan3A_192 = arith.constant 1 : i32
      scf.for %scan3A_293 = %scan3A_189 to %scan3A_191 step %scan3A_192  : i32 {
        %mul3A_294 = arith.constant 4 : i32
        %mul3A_295 = arith.muli %mul3A_294, %scan3A_293 : i32
        %add3A_296 = arith.constant 0 : i32
        %add3A_297 = arith.addi %mul3A_295, %add3A_296 : i32
        %jit3A = arith.constant 2 : i32
        %div3A = arith.divsi %add3A_297, %jit3A : i32
        %sign3A = arith.constant 0 : i32
        %sign3A_298 = arith.cmpi sgt, %add3A_297, %sign3A : i32
        %sign3A_299 = arith.extui %sign3A_298 : i1 to i32
        %sign3A_300 = arith.constant 0 : i32
        %sign3A_301 = arith.cmpi slt, %add3A_297, %sign3A_300 : i32
        %sign3A_302 = arith.extui %sign3A_301 : i1 to i32
        %sign3A_303 = arith.subi %sign3A_299, %sign3A_302 : i32
        %sign3A_304 = arith.constant 0 : i32
        %sign3A_305 = arith.cmpi sgt, %jit3A, %sign3A_304 : i32
        %sign3A_306 = arith.extui %sign3A_305 : i1 to i32
        %sign3A_307 = arith.constant 0 : i32
        %sign3A_308 = arith.cmpi slt, %jit3A, %sign3A_307 : i32
        %sign3A_309 = arith.extui %sign3A_308 : i1 to i32
        %sign3A_310 = arith.subi %sign3A_306, %sign3A_309 : i32
        %ne3A = arith.cmpi ne, %sign3A_303, %sign3A_310 : i32
        %rem3A = arith.remsi %add3A_297, %jit3A : i32
        %ne3A_311 = arith.constant 0 : i32
        %ne3A_312 = arith.cmpi ne, %rem3A, %ne3A_311 : i32
        %and3A = arith.andi %ne3A, %ne3A_312 : i1
        %sub3A = arith.constant 1 : i32
        %sub3A_313 = arith.subi %div3A, %sub3A : i32
        %select_n3A = arith.select %and3A, %sub3A_313, %div3A : i32
        %jit3A_314 = arith.constant 2 : i32
        %eq3A = arith.constant 0 : i32
        %eq3A_315 = arith.cmpi eq, %jit3A_314, %eq3A : i32
        %jit3A_316 = arith.constant 1 : i32
        %select_n3A_317 = arith.select %eq3A_315, %jit3A_316, %jit3A_314 : i32
        %rem3A_318 = arith.remsi %add3A_297, %select_n3A_317 : i32
        %ne3A_319 = arith.constant 0 : i32
        %ne3A_320 = arith.cmpi ne, %rem3A_318, %ne3A_319 : i32
        %lt3A = arith.constant 0 : i32
        %lt3A_321 = arith.cmpi slt, %rem3A_318, %lt3A : i32
        %lt3A_322 = arith.constant 0 : i32
        %lt3A_323 = arith.cmpi slt, %select_n3A_317, %lt3A_322 : i32
        %ne3A_324 = arith.xori %lt3A_321, %lt3A_323 : i1
        %and3A_325 = arith.andi %ne3A_324, %ne3A_320 : i1
        %add3A_326 = arith.addi %rem3A_318, %select_n3A_317 : i32
        %select_n3A_327 = arith.select %and3A_325, %add3A_326, %rem3A_318 : i32
        %mul3A_328 = arith.constant 64 : i32
        %mul3A_329 = arith.muli %select_n3A_327, %mul3A_328 : i32
        %dma_wait3A_330 = tpu.memref_slice %arg12[%select_n3A, %mul3A_329] : memref<40x128xi32, #tpu.memory_space<vmem>> -> memref<1x64xi32, #tpu.memory_space<vmem>>
        %dma_wait3A_331 = tpu.memref_squeeze %dma_wait3A_330 : memref<1x64xi32, #tpu.memory_space<vmem>> -> memref<64xi32, #tpu.memory_space<vmem>>
        %dma_wait3A_332 = arith.constant 0 : i32
        %dma_wait3A_333 = arith.constant 0 : i32
        %dma_wait3A_334 = tpu.memref_slice %arg2[%dma_wait3A_332, %dma_wait3A_333] : memref<10000x128xf32, #tpu.memory_space<hbm>> -> memref<10000x128xf32, #tpu.memory_space<hbm>>
        tpu.wait_indirect_dma semaphore(%arg19 : memref<!tpu.dma_semaphore, #tpu.memory_space<semaphore_mem>>) src(%dma_wait3A_334 : memref<10000x128xf32, #tpu.memory_space<hbm>>) dst(%arg14 : memref<64x128xf32, #tpu.memory_space<vmem>>)
        %jit3A_335 = arith.constant 2 : i32
        %div3A_336 = arith.divsi %add3A_297, %jit3A_335 : i32
        %sign3A_337 = arith.constant 0 : i32
        %sign3A_338 = arith.cmpi sgt, %add3A_297, %sign3A_337 : i32
        %sign3A_339 = arith.extui %sign3A_338 : i1 to i32
        %sign3A_340 = arith.constant 0 : i32
        %sign3A_341 = arith.cmpi slt, %add3A_297, %sign3A_340 : i32
        %sign3A_342 = arith.extui %sign3A_341 : i1 to i32
        %sign3A_343 = arith.subi %sign3A_339, %sign3A_342 : i32
        %sign3A_344 = arith.constant 0 : i32
        %sign3A_345 = arith.cmpi sgt, %jit3A_335, %sign3A_344 : i32
        %sign3A_346 = arith.extui %sign3A_345 : i1 to i32
        %sign3A_347 = arith.constant 0 : i32
        %sign3A_348 = arith.cmpi slt, %jit3A_335, %sign3A_347 : i32
        %sign3A_349 = arith.extui %sign3A_348 : i1 to i32
        %sign3A_350 = arith.subi %sign3A_346, %sign3A_349 : i32
        %ne3A_351 = arith.cmpi ne, %sign3A_343, %sign3A_350 : i32
        %rem3A_352 = arith.remsi %add3A_297, %jit3A_335 : i32
        %ne3A_353 = arith.constant 0 : i32
        %ne3A_354 = arith.cmpi ne, %rem3A_352, %ne3A_353 : i32
        %and3A_355 = arith.andi %ne3A_351, %ne3A_354 : i1
        %sub3A_356 = arith.constant 1 : i32
        %sub3A_357 = arith.subi %div3A_336, %sub3A_356 : i32
        %select_n3A_358 = arith.select %and3A_355, %sub3A_357, %div3A_336 : i32
        %jit3A_359 = arith.constant 2 : i32
        %eq3A_360 = arith.constant 0 : i32
        %eq3A_361 = arith.cmpi eq, %jit3A_359, %eq3A_360 : i32
        %jit3A_362 = arith.constant 1 : i32
        %select_n3A_363 = arith.select %eq3A_361, %jit3A_362, %jit3A_359 : i32
        %rem3A_364 = arith.remsi %add3A_297, %select_n3A_363 : i32
        %ne3A_365 = arith.constant 0 : i32
        %ne3A_366 = arith.cmpi ne, %rem3A_364, %ne3A_365 : i32
        %lt3A_367 = arith.constant 0 : i32
        %lt3A_368 = arith.cmpi slt, %rem3A_364, %lt3A_367 : i32
        %lt3A_369 = arith.constant 0 : i32
        %lt3A_370 = arith.cmpi slt, %select_n3A_363, %lt3A_369 : i32
        %ne3A_371 = arith.xori %lt3A_368, %lt3A_370 : i1
        %and3A_372 = arith.andi %ne3A_371, %ne3A_366 : i1
        %add3A_373 = arith.addi %rem3A_364, %select_n3A_363 : i32
        %select_n3A_374 = arith.select %and3A_372, %add3A_373, %rem3A_364 : i32
        %mul3A_375 = arith.constant 64 : i32
        %mul3A_376 = arith.muli %select_n3A_374, %mul3A_375 : i32
        "tpu.region"() ({
          %run_scoped3A_868 = tpu.sem_alloc : memref<!tpu.dma_semaphore, #tpu.memory_space<semaphore_mem>>
          %dma_start3A_869 = tpu.memref_slice %arg13[%select_n3A_358, %mul3A_376] : memref<40x128xi32, #tpu.memory_space<vmem>> -> memref<1x64xi32, #tpu.memory_space<vmem>>
          %dma_start3A_870 = tpu.memref_squeeze %dma_start3A_869 : memref<1x64xi32, #tpu.memory_space<vmem>> -> memref<64xi32, #tpu.memory_space<vmem>>
          %dma_start3A_871 = arith.constant 0 : i32
          %dma_start3A_872 = arith.constant 0 : i32
          %dma_start3A_873 = tpu.memref_slice %arg10[%dma_start3A_871, %dma_start3A_872] : memref<10240x128xf32, #tpu.memory_space<vmem_shared>> -> memref<10240x128xf32, #tpu.memory_space<vmem_shared>>
          tpu.enqueue_indirect_dma source(%arg14 : memref<64x128xf32, #tpu.memory_space<vmem>>) target(%dma_start3A_873 : memref<10240x128xf32, #tpu.memory_space<vmem_shared>>) offsets(%dma_start3A_870 : memref<64xi32, #tpu.memory_space<vmem>>) semaphore(%run_scoped3A_868 : memref<!tpu.dma_semaphore, #tpu.memory_space<semaphore_mem>>) {add = true}
          %dma_wait3A_874 = tpu.memref_slice %arg13[%select_n3A_358, %mul3A_376] : memref<40x128xi32, #tpu.memory_space<vmem>> -> memref<1x64xi32, #tpu.memory_space<vmem>>
          %dma_wait3A_875 = tpu.memref_squeeze %dma_wait3A_874 : memref<1x64xi32, #tpu.memory_space<vmem>> -> memref<64xi32, #tpu.memory_space<vmem>>
          %dma_wait3A_876 = arith.constant 0 : i32
          %dma_wait3A_877 = arith.constant 0 : i32
          %dma_wait3A_878 = tpu.memref_slice %arg10[%dma_wait3A_876, %dma_wait3A_877] : memref<10240x128xf32, #tpu.memory_space<vmem_shared>> -> memref<10240x128xf32, #tpu.memory_space<vmem_shared>>
          tpu.wait_indirect_dma semaphore(%run_scoped3A_868 : memref<!tpu.dma_semaphore, #tpu.memory_space<semaphore_mem>>) src(%arg14 : memref<64x128xf32, #tpu.memory_space<vmem>>) dst(%dma_wait3A_878 : memref<10240x128xf32, #tpu.memory_space<vmem_shared>>)
          tpu.yield
        }) : () -> ()
        "tpu.region"() ({
          %run_scoped3A_868 = tpu.sem_alloc : memref<!tpu.dma_semaphore, #tpu.memory_space<semaphore_mem>>
          %dma_start3A_869 = tpu.memref_slice %arg13[%select_n3A_358, %mul3A_376] : memref<40x128xi32, #tpu.memory_space<vmem>> -> memref<1x64xi32, #tpu.memory_space<vmem>>
          %dma_start3A_870 = tpu.memref_squeeze %dma_start3A_869 : memref<1x64xi32, #tpu.memory_space<vmem>> -> memref<64xi32, #tpu.memory_space<vmem>>
          %dma_start3A_871 = arith.constant 0 : i32
          %dma_start3A_872 = tpu.memref_slice %arg11[%dma_start3A_871] : memref<10240xf32, #tpu.memory_space<vmem_shared>> -> memref<10240xf32, #tpu.memory_space<vmem_shared>>
          tpu.enqueue_indirect_dma source(%arg18 : memref<64xf32, #tpu.memory_space<vmem>>) target(%dma_start3A_872 : memref<10240xf32, #tpu.memory_space<vmem_shared>>) offsets(%dma_start3A_870 : memref<64xi32, #tpu.memory_space<vmem>>) semaphore(%run_scoped3A_868 : memref<!tpu.dma_semaphore, #tpu.memory_space<semaphore_mem>>) {add = true}
          %dma_wait3A_873 = tpu.memref_slice %arg13[%select_n3A_358, %mul3A_376] : memref<40x128xi32, #tpu.memory_space<vmem>> -> memref<1x64xi32, #tpu.memory_space<vmem>>
          %dma_wait3A_874 = tpu.memref_squeeze %dma_wait3A_873 : memref<1x64xi32, #tpu.memory_space<vmem>> -> memref<64xi32, #tpu.memory_space<vmem>>
          %dma_wait3A_875 = arith.constant 0 : i32
          %dma_wait3A_876 = tpu.memref_slice %arg11[%dma_wait3A_875] : memref<10240xf32, #tpu.memory_space<vmem_shared>> -> memref<10240xf32, #tpu.memory_space<vmem_shared>>
          tpu.wait_indirect_dma semaphore(%run_scoped3A_868 : memref<!tpu.dma_semaphore, #tpu.memory_space<semaphore_mem>>) src(%arg18 : memref<64xf32, #tpu.memory_space<vmem>>) dst(%dma_wait3A_876 : memref<10240xf32, #tpu.memory_space<vmem_shared>>)
          tpu.yield
        }) : () -> ()
        %mul3A_377 = arith.constant 4 : i32
        %mul3A_378 = arith.muli %mul3A_377, %scan3A_293 : i32
        %add3A_379 = arith.constant 4 : i32
        %add3A_380 = arith.addi %mul3A_378, %add3A_379 : i32
        %add3A_381 = arith.constant 0 : i32
        %add3A_382 = arith.addi %add3A_380, %add3A_381 : i32
        %jit3A_383 = arith.constant 2 : i32
        %div3A_384 = arith.divsi %add3A_382, %jit3A_383 : i32
        %sign3A_385 = arith.constant 0 : i32
        %sign3A_386 = arith.cmpi sgt, %add3A_382, %sign3A_385 : i32
        %sign3A_387 = arith.extui %sign3A_386 : i1 to i32
        %sign3A_388 = arith.constant 0 : i32
        %sign3A_389 = arith.cmpi slt, %add3A_382, %sign3A_388 : i32
        %sign3A_390 = arith.extui %sign3A_389 : i1 to i32
        %sign3A_391 = arith.subi %sign3A_387, %sign3A_390 : i32
        %sign3A_392 = arith.constant 0 : i32
        %sign3A_393 = arith.cmpi sgt, %jit3A_383, %sign3A_392 : i32
        %sign3A_394 = arith.extui %sign3A_393 : i1 to i32
        %sign3A_395 = arith.constant 0 : i32
        %sign3A_396 = arith.cmpi slt, %jit3A_383, %sign3A_395 : i32
        %sign3A_397 = arith.extui %sign3A_396 : i1 to i32
        %sign3A_398 = arith.subi %sign3A_394, %sign3A_397 : i32
        %ne3A_399 = arith.cmpi ne, %sign3A_391, %sign3A_398 : i32
        %rem3A_400 = arith.remsi %add3A_382, %jit3A_383 : i32
        %ne3A_401 = arith.constant 0 : i32
        %ne3A_402 = arith.cmpi ne, %rem3A_400, %ne3A_401 : i32
        %and3A_403 = arith.andi %ne3A_399, %ne3A_402 : i1
        %sub3A_404 = arith.constant 1 : i32
        %sub3A_405 = arith.subi %div3A_384, %sub3A_404 : i32
        %select_n3A_406 = arith.select %and3A_403, %sub3A_405, %div3A_384 : i32
        %jit3A_407 = arith.constant 2 : i32
        %eq3A_408 = arith.constant 0 : i32
        %eq3A_409 = arith.cmpi eq, %jit3A_407, %eq3A_408 : i32
        %jit3A_410 = arith.constant 1 : i32
        %select_n3A_411 = arith.select %eq3A_409, %jit3A_410, %jit3A_407 : i32
        %rem3A_412 = arith.remsi %add3A_382, %select_n3A_411 : i32
        %ne3A_413 = arith.constant 0 : i32
        %ne3A_414 = arith.cmpi ne, %rem3A_412, %ne3A_413 : i32
        %lt3A_415 = arith.constant 0 : i32
        %lt3A_416 = arith.cmpi slt, %rem3A_412, %lt3A_415 : i32
        %lt3A_417 = arith.constant 0 : i32
        %lt3A_418 = arith.cmpi slt, %select_n3A_411, %lt3A_417 : i32
        %ne3A_419 = arith.xori %lt3A_416, %lt3A_418 : i1
        %and3A_420 = arith.andi %ne3A_419, %ne3A_414 : i1
        %add3A_421 = arith.addi %rem3A_412, %select_n3A_411 : i32
        %select_n3A_422 = arith.select %and3A_420, %add3A_421, %rem3A_412 : i32
        %mul3A_423 = arith.constant 64 : i32
        %mul3A_424 = arith.muli %select_n3A_422, %mul3A_423 : i32
        %dma_start3A_425 = tpu.memref_slice %arg12[%select_n3A_406, %mul3A_424] : memref<40x128xi32, #tpu.memory_space<vmem>> -> memref<1x64xi32, #tpu.memory_space<vmem>>
        %dma_start3A_426 = tpu.memref_squeeze %dma_start3A_425 : memref<1x64xi32, #tpu.memory_space<vmem>> -> memref<64xi32, #tpu.memory_space<vmem>>
        %dma_start3A_427 = arith.constant 0 : i32
        %dma_start3A_428 = arith.constant 0 : i32
        %dma_start3A_429 = tpu.memref_slice %arg2[%dma_start3A_427, %dma_start3A_428] : memref<10000x128xf32, #tpu.memory_space<hbm>> -> memref<10000x128xf32, #tpu.memory_space<hbm>>
        tpu.enqueue_indirect_dma source(%dma_start3A_429 : memref<10000x128xf32, #tpu.memory_space<hbm>>) target(%arg14 : memref<64x128xf32, #tpu.memory_space<vmem>>) offsets(%dma_start3A_426 : memref<64xi32, #tpu.memory_space<vmem>>) semaphore(%arg19 : memref<!tpu.dma_semaphore, #tpu.memory_space<semaphore_mem>>)
        %mul3A_430 = arith.constant 4 : i32
        %mul3A_431 = arith.muli %mul3A_430, %scan3A_293 : i32
        %add3A_432 = arith.constant 1 : i32
        %add3A_433 = arith.addi %mul3A_431, %add3A_432 : i32
        %jit3A_434 = arith.constant 2 : i32
        %div3A_435 = arith.divsi %add3A_433, %jit3A_434 : i32
        %sign3A_436 = arith.constant 0 : i32
        %sign3A_437 = arith.cmpi sgt, %add3A_433, %sign3A_436 : i32
        %sign3A_438 = arith.extui %sign3A_437 : i1 to i32
        %sign3A_439 = arith.constant 0 : i32
        %sign3A_440 = arith.cmpi slt, %add3A_433, %sign3A_439 : i32
        %sign3A_441 = arith.extui %sign3A_440 : i1 to i32
        %sign3A_442 = arith.subi %sign3A_438, %sign3A_441 : i32
        %sign3A_443 = arith.constant 0 : i32
        %sign3A_444 = arith.cmpi sgt, %jit3A_434, %sign3A_443 : i32
        %sign3A_445 = arith.extui %sign3A_444 : i1 to i32
        %sign3A_446 = arith.constant 0 : i32
        %sign3A_447 = arith.cmpi slt, %jit3A_434, %sign3A_446 : i32
        %sign3A_448 = arith.extui %sign3A_447 : i1 to i32
        %sign3A_449 = arith.subi %sign3A_445, %sign3A_448 : i32
        %ne3A_450 = arith.cmpi ne, %sign3A_442, %sign3A_449 : i32
        %rem3A_451 = arith.remsi %add3A_433, %jit3A_434 : i32
        %ne3A_452 = arith.constant 0 : i32
        %ne3A_453 = arith.cmpi ne, %rem3A_451, %ne3A_452 : i32
        %and3A_454 = arith.andi %ne3A_450, %ne3A_453 : i1
        %sub3A_455 = arith.constant 1 : i32
        %sub3A_456 = arith.subi %div3A_435, %sub3A_455 : i32
        %select_n3A_457 = arith.select %and3A_454, %sub3A_456, %div3A_435 : i32
        %jit3A_458 = arith.constant 2 : i32
        %eq3A_459 = arith.constant 0 : i32
        %eq3A_460 = arith.cmpi eq, %jit3A_458, %eq3A_459 : i32
        %jit3A_461 = arith.constant 1 : i32
        %select_n3A_462 = arith.select %eq3A_460, %jit3A_461, %jit3A_458 : i32
        %rem3A_463 = arith.remsi %add3A_433, %select_n3A_462 : i32
        %ne3A_464 = arith.constant 0 : i32
        %ne3A_465 = arith.cmpi ne, %rem3A_463, %ne3A_464 : i32
        %lt3A_466 = arith.constant 0 : i32
        %lt3A_467 = arith.cmpi slt, %rem3A_463, %lt3A_466 : i32
        %lt3A_468 = arith.constant 0 : i32
        %lt3A_469 = arith.cmpi slt, %select_n3A_462, %lt3A_468 : i32
        %ne3A_470 = arith.xori %lt3A_467, %lt3A_469 : i1
        %and3A_471 = arith.andi %ne3A_470, %ne3A_465 : i1
        %add3A_472 = arith.addi %rem3A_463, %select_n3A_462 : i32
        %select_n3A_473 = arith.select %and3A_471, %add3A_472, %rem3A_463 : i32
        %mul3A_474 = arith.constant 64 : i32
        %mul3A_475 = arith.muli %select_n3A_473, %mul3A_474 : i32
        %dma_wait3A_476 = tpu.memref_slice %arg12[%select_n3A_457, %mul3A_475] : memref<40x128xi32, #tpu.memory_space<vmem>> -> memref<1x64xi32, #tpu.memory_space<vmem>>
        %dma_wait3A_477 = tpu.memref_squeeze %dma_wait3A_476 : memref<1x64xi32, #tpu.memory_space<vmem>> -> memref<64xi32, #tpu.memory_space<vmem>>
        %dma_wait3A_478 = arith.constant 0 : i32
        %dma_wait3A_479 = arith.constant 0 : i32
        %dma_wait3A_480 = tpu.memref_slice %arg2[%dma_wait3A_478, %dma_wait3A_479] : memref<10000x128xf32, #tpu.memory_space<hbm>> -> memref<10000x128xf32, #tpu.memory_space<hbm>>
        tpu.wait_indirect_dma semaphore(%arg20 : memref<!tpu.dma_semaphore, #tpu.memory_space<semaphore_mem>>) src(%dma_wait3A_480 : memref<10000x128xf32, #tpu.memory_space<hbm>>) dst(%arg15 : memref<64x128xf32, #tpu.memory_space<vmem>>)
        %jit3A_481 = arith.constant 2 : i32
        %div3A_482 = arith.divsi %add3A_433, %jit3A_481 : i32
        %sign3A_483 = arith.constant 0 : i32
        %sign3A_484 = arith.cmpi sgt, %add3A_433, %sign3A_483 : i32
        %sign3A_485 = arith.extui %sign3A_484 : i1 to i32
        %sign3A_486 = arith.constant 0 : i32
        %sign3A_487 = arith.cmpi slt, %add3A_433, %sign3A_486 : i32
        %sign3A_488 = arith.extui %sign3A_487 : i1 to i32
        %sign3A_489 = arith.subi %sign3A_485, %sign3A_488 : i32
        %sign3A_490 = arith.constant 0 : i32
        %sign3A_491 = arith.cmpi sgt, %jit3A_481, %sign3A_490 : i32
        %sign3A_492 = arith.extui %sign3A_491 : i1 to i32
        %sign3A_493 = arith.constant 0 : i32
        %sign3A_494 = arith.cmpi slt, %jit3A_481, %sign3A_493 : i32
        %sign3A_495 = arith.extui %sign3A_494 : i1 to i32
        %sign3A_496 = arith.subi %sign3A_492, %sign3A_495 : i32
        %ne3A_497 = arith.cmpi ne, %sign3A_489, %sign3A_496 : i32
        %rem3A_498 = arith.remsi %add3A_433, %jit3A_481 : i32
        %ne3A_499 = arith.constant 0 : i32
        %ne3A_500 = arith.cmpi ne, %rem3A_498, %ne3A_499 : i32
        %and3A_501 = arith.andi %ne3A_497, %ne3A_500 : i1
        %sub3A_502 = arith.constant 1 : i32
        %sub3A_503 = arith.subi %div3A_482, %sub3A_502 : i32
        %select_n3A_504 = arith.select %and3A_501, %sub3A_503, %div3A_482 : i32
        %jit3A_505 = arith.constant 2 : i32
        %eq3A_506 = arith.constant 0 : i32
        %eq3A_507 = arith.cmpi eq, %jit3A_505, %eq3A_506 : i32
        %jit3A_508 = arith.constant 1 : i32
        %select_n3A_509 = arith.select %eq3A_507, %jit3A_508, %jit3A_505 : i32
        %rem3A_510 = arith.remsi %add3A_433, %select_n3A_509 : i32
        %ne3A_511 = arith.constant 0 : i32
        %ne3A_512 = arith.cmpi ne, %rem3A_510, %ne3A_511 : i32
        %lt3A_513 = arith.constant 0 : i32
        %lt3A_514 = arith.cmpi slt, %rem3A_510, %lt3A_513 : i32
        %lt3A_515 = arith.constant 0 : i32
        %lt3A_516 = arith.cmpi slt, %select_n3A_509, %lt3A_515 : i32
        %ne3A_517 = arith.xori %lt3A_514, %lt3A_516 : i1
        %and3A_518 = arith.andi %ne3A_517, %ne3A_512 : i1
        %add3A_519 = arith.addi %rem3A_510, %select_n3A_509 : i32
        %select_n3A_520 = arith.select %and3A_518, %add3A_519, %rem3A_510 : i32
        %mul3A_521 = arith.constant 64 : i32
        %mul3A_522 = arith.muli %select_n3A_520, %mul3A_521 : i32
        "tpu.region"() ({
          %run_scoped3A_868 = tpu.sem_alloc : memref<!tpu.dma_semaphore, #tpu.memory_space<semaphore_mem>>
          %dma_start3A_869 = tpu.memref_slice %arg13[%select_n3A_504, %mul3A_522] : memref<40x128xi32, #tpu.memory_space<vmem>> -> memref<1x64xi32, #tpu.memory_space<vmem>>
          %dma_start3A_870 = tpu.memref_squeeze %dma_start3A_869 : memref<1x64xi32, #tpu.memory_space<vmem>> -> memref<64xi32, #tpu.memory_space<vmem>>
          %dma_start3A_871 = arith.constant 0 : i32
          %dma_start3A_872 = arith.constant 0 : i32
          %dma_start3A_873 = tpu.memref_slice %arg10[%dma_start3A_871, %dma_start3A_872] : memref<10240x128xf32, #tpu.memory_space<vmem_shared>> -> memref<10240x128xf32, #tpu.memory_space<vmem_shared>>
          tpu.enqueue_indirect_dma source(%arg15 : memref<64x128xf32, #tpu.memory_space<vmem>>) target(%dma_start3A_873 : memref<10240x128xf32, #tpu.memory_space<vmem_shared>>) offsets(%dma_start3A_870 : memref<64xi32, #tpu.memory_space<vmem>>) semaphore(%run_scoped3A_868 : memref<!tpu.dma_semaphore, #tpu.memory_space<semaphore_mem>>) {add = true}
          %dma_wait3A_874 = tpu.memref_slice %arg13[%select_n3A_504, %mul3A_522] : memref<40x128xi32, #tpu.memory_space<vmem>> -> memref<1x64xi32, #tpu.memory_space<vmem>>
          %dma_wait3A_875 = tpu.memref_squeeze %dma_wait3A_874 : memref<1x64xi32, #tpu.memory_space<vmem>> -> memref<64xi32, #tpu.memory_space<vmem>>
          %dma_wait3A_876 = arith.constant 0 : i32
          %dma_wait3A_877 = arith.constant 0 : i32
          %dma_wait3A_878 = tpu.memref_slice %arg10[%dma_wait3A_876, %dma_wait3A_877] : memref<10240x128xf32, #tpu.memory_space<vmem_shared>> -> memref<10240x128xf32, #tpu.memory_space<vmem_shared>>
          tpu.wait_indirect_dma semaphore(%run_scoped3A_868 : memref<!tpu.dma_semaphore, #tpu.memory_space<semaphore_mem>>) src(%arg15 : memref<64x128xf32, #tpu.memory_space<vmem>>) dst(%dma_wait3A_878 : memref<10240x128xf32, #tpu.memory_space<vmem_shared>>)
          tpu.yield
        }) : () -> ()
        "tpu.region"() ({
          %run_scoped3A_868 = tpu.sem_alloc : memref<!tpu.dma_semaphore, #tpu.memory_space<semaphore_mem>>
          %dma_start3A_869 = tpu.memref_slice %arg13[%select_n3A_504, %mul3A_522] : memref<40x128xi32, #tpu.memory_space<vmem>> -> memref<1x64xi32, #tpu.memory_space<vmem>>
          %dma_start3A_870 = tpu.memref_squeeze %dma_start3A_869 : memref<1x64xi32, #tpu.memory_space<vmem>> -> memref<64xi32, #tpu.memory_space<vmem>>
          %dma_start3A_871 = arith.constant 0 : i32
          %dma_start3A_872 = tpu.memref_slice %arg11[%dma_start3A_871] : memref<10240xf32, #tpu.memory_space<vmem_shared>> -> memref<10240xf32, #tpu.memory_space<vmem_shared>>
          tpu.enqueue_indirect_dma source(%arg18 : memref<64xf32, #tpu.memory_space<vmem>>) target(%dma_start3A_872 : memref<10240xf32, #tpu.memory_space<vmem_shared>>) offsets(%dma_start3A_870 : memref<64xi32, #tpu.memory_space<vmem>>) semaphore(%run_scoped3A_868 : memref<!tpu.dma_semaphore, #tpu.memory_space<semaphore_mem>>) {add = true}
          %dma_wait3A_873 = tpu.memref_slice %arg13[%select_n3A_504, %mul3A_522] : memref<40x128xi32, #tpu.memory_space<vmem>> -> memref<1x64xi32, #tpu.memory_space<vmem>>
          %dma_wait3A_874 = tpu.memref_squeeze %dma_wait3A_873 : memref<1x64xi32, #tpu.memory_space<vmem>> -> memref<64xi32, #tpu.memory_space<vmem>>
          %dma_wait3A_875 = arith.constant 0 : i32
          %dma_wait3A_876 = tpu.memref_slice %arg11[%dma_wait3A_875] : memref<10240xf32, #tpu.memory_space<vmem_shared>> -> memref<10240xf32, #tpu.memory_space<vmem_shared>>
          tpu.wait_indirect_dma semaphore(%run_scoped3A_868 : memref<!tpu.dma_semaphore, #tpu.memory_space<semaphore_mem>>) src(%arg18 : memref<64xf32, #tpu.memory_space<vmem>>) dst(%dma_wait3A_876 : memref<10240xf32, #tpu.memory_space<vmem_shared>>)
          tpu.yield
        }) : () -> ()
        %mul3A_523 = arith.constant 4 : i32
        %mul3A_524 = arith.muli %mul3A_523, %scan3A_293 : i32
        %add3A_525 = arith.constant 4 : i32
        %add3A_526 = arith.addi %mul3A_524, %add3A_525 : i32
        %add3A_527 = arith.constant 1 : i32
        %add3A_528 = arith.addi %add3A_526, %add3A_527 : i32
        %jit3A_529 = arith.constant 2 : i32
        %div3A_530 = arith.divsi %add3A_528, %jit3A_529 : i32
        %sign3A_531 = arith.constant 0 : i32
        %sign3A_532 = arith.cmpi sgt, %add3A_528, %sign3A_531 : i32
        %sign3A_533 = arith.extui %sign3A_532 : i1 to i32
        %sign3A_534 = arith.constant 0 : i32
        %sign3A_535 = arith.cmpi slt, %add3A_528, %sign3A_534 : i32
        %sign3A_536 = arith.extui %sign3A_535 : i1 to i32
        %sign3A_537 = arith.subi %sign3A_533, %sign3A_536 : i32
        %sign3A_538 = arith.constant 0 : i32
        %sign3A_539 = arith.cmpi sgt, %jit3A_529, %sign3A_538 : i32
        %sign3A_540 = arith.extui %sign3A_539 : i1 to i32
        %sign3A_541 = arith.constant 0 : i32
        %sign3A_542 = arith.cmpi slt, %jit3A_529, %sign3A_541 : i32
        %sign3A_543 = arith.extui %sign3A_542 : i1 to i32
        %sign3A_544 = arith.subi %sign3A_540, %sign3A_543 : i32
        %ne3A_545 = arith.cmpi ne, %sign3A_537, %sign3A_544 : i32
        %rem3A_546 = arith.remsi %add3A_528, %jit3A_529 : i32
        %ne3A_547 = arith.constant 0 : i32
        %ne3A_548 = arith.cmpi ne, %rem3A_546, %ne3A_547 : i32
        %and3A_549 = arith.andi %ne3A_545, %ne3A_548 : i1
        %sub3A_550 = arith.constant 1 : i32
        %sub3A_551 = arith.subi %div3A_530, %sub3A_550 : i32
        %select_n3A_552 = arith.select %and3A_549, %sub3A_551, %div3A_530 : i32
        %jit3A_553 = arith.constant 2 : i32
        %eq3A_554 = arith.constant 0 : i32
        %eq3A_555 = arith.cmpi eq, %jit3A_553, %eq3A_554 : i32
        %jit3A_556 = arith.constant 1 : i32
        %select_n3A_557 = arith.select %eq3A_555, %jit3A_556, %jit3A_553 : i32
        %rem3A_558 = arith.remsi %add3A_528, %select_n3A_557 : i32
        %ne3A_559 = arith.constant 0 : i32
        %ne3A_560 = arith.cmpi ne, %rem3A_558, %ne3A_559 : i32
        %lt3A_561 = arith.constant 0 : i32
        %lt3A_562 = arith.cmpi slt, %rem3A_558, %lt3A_561 : i32
        %lt3A_563 = arith.constant 0 : i32
        %lt3A_564 = arith.cmpi slt, %select_n3A_557, %lt3A_563 : i32
        %ne3A_565 = arith.xori %lt3A_562, %lt3A_564 : i1
        %and3A_566 = arith.andi %ne3A_565, %ne3A_560 : i1
        %add3A_567 = arith.addi %rem3A_558, %select_n3A_557 : i32
        %select_n3A_568 = arith.select %and3A_566, %add3A_567, %rem3A_558 : i32
        %mul3A_569 = arith.constant 64 : i32
        %mul3A_570 = arith.muli %select_n3A_568, %mul3A_569 : i32
        %dma_start3A_571 = tpu.memref_slice %arg12[%select_n3A_552, %mul3A_570] : memref<40x128xi32, #tpu.memory_space<vmem>> -> memref<1x64xi32, #tpu.memory_space<vmem>>
        %dma_start3A_572 = tpu.memref_squeeze %dma_start3A_571 : memref<1x64xi32, #tpu.memory_space<vmem>> -> memref<64xi32, #tpu.memory_space<vmem>>
        %dma_start3A_573 = arith.constant 0 : i32
        %dma_start3A_574 = arith.constant 0 : i32
        %dma_start3A_575 = tpu.memref_slice %arg2[%dma_start3A_573, %dma_start3A_574] : memref<10000x128xf32, #tpu.memory_space<hbm>> -> memref<10000x128xf32, #tpu.memory_space<hbm>>
        tpu.enqueue_indirect_dma source(%dma_start3A_575 : memref<10000x128xf32, #tpu.memory_space<hbm>>) target(%arg15 : memref<64x128xf32, #tpu.memory_space<vmem>>) offsets(%dma_start3A_572 : memref<64xi32, #tpu.memory_space<vmem>>) semaphore(%arg20 : memref<!tpu.dma_semaphore, #tpu.memory_space<semaphore_mem>>)
        %mul3A_576 = arith.constant 4 : i32
        %mul3A_577 = arith.muli %mul3A_576, %scan3A_293 : i32
        %add3A_578 = arith.constant 2 : i32
        %add3A_579 = arith.addi %mul3A_577, %add3A_578 : i32
        %jit3A_580 = arith.constant 2 : i32
        %div3A_581 = arith.divsi %add3A_579, %jit3A_580 : i32
        %sign3A_582 = arith.constant 0 : i32
        %sign3A_583 = arith.cmpi sgt, %add3A_579, %sign3A_582 : i32
        %sign3A_584 = arith.extui %sign3A_583 : i1 to i32
        %sign3A_585 = arith.constant 0 : i32
        %sign3A_586 = arith.cmpi slt, %add3A_579, %sign3A_585 : i32
        %sign3A_587 = arith.extui %sign3A_586 : i1 to i32
        %sign3A_588 = arith.subi %sign3A_584, %sign3A_587 : i32
        %sign3A_589 = arith.constant 0 : i32
        %sign3A_590 = arith.cmpi sgt, %jit3A_580, %sign3A_589 : i32
        %sign3A_591 = arith.extui %sign3A_590 : i1 to i32
        %sign3A_592 = arith.constant 0 : i32
        %sign3A_593 = arith.cmpi slt, %jit3A_580, %sign3A_592 : i32
        %sign3A_594 = arith.extui %sign3A_593 : i1 to i32
        %sign3A_595 = arith.subi %sign3A_591, %sign3A_594 : i32
        %ne3A_596 = arith.cmpi ne, %sign3A_588, %sign3A_595 : i32
        %rem3A_597 = arith.remsi %add3A_579, %jit3A_580 : i32
        %ne3A_598 = arith.constant 0 : i32
        %ne3A_599 = arith.cmpi ne, %rem3A_597, %ne3A_598 : i32
        %and3A_600 = arith.andi %ne3A_596, %ne3A_599 : i1
        %sub3A_601 = arith.constant 1 : i32
        %sub3A_602 = arith.subi %div3A_581, %sub3A_601 : i32
        %select_n3A_603 = arith.select %and3A_600, %sub3A_602, %div3A_581 : i32
        %jit3A_604 = arith.constant 2 : i32
        %eq3A_605 = arith.constant 0 : i32
        %eq3A_606 = arith.cmpi eq, %jit3A_604, %eq3A_605 : i32
        %jit3A_607 = arith.constant 1 : i32
        %select_n3A_608 = arith.select %eq3A_606, %jit3A_607, %jit3A_604 : i32
        %rem3A_609 = arith.remsi %add3A_579, %select_n3A_608 : i32
        %ne3A_610 = arith.constant 0 : i32
        %ne3A_611 = arith.cmpi ne, %rem3A_609, %ne3A_610 : i32
        %lt3A_612 = arith.constant 0 : i32
        %lt3A_613 = arith.cmpi slt, %rem3A_609, %lt3A_612 : i32
        %lt3A_614 = arith.constant 0 : i32
        %lt3A_615 = arith.cmpi slt, %select_n3A_608, %lt3A_614 : i32
        %ne3A_616 = arith.xori %lt3A_613, %lt3A_615 : i1
        %and3A_617 = arith.andi %ne3A_616, %ne3A_611 : i1
        %add3A_618 = arith.addi %rem3A_609, %select_n3A_608 : i32
        %select_n3A_619 = arith.select %and3A_617, %add3A_618, %rem3A_609 : i32
        %mul3A_620 = arith.constant 64 : i32
        %mul3A_621 = arith.muli %select_n3A_619, %mul3A_620 : i32
        %dma_wait3A_622 = tpu.memref_slice %arg12[%select_n3A_603, %mul3A_621] : memref<40x128xi32, #tpu.memory_space<vmem>> -> memref<1x64xi32, #tpu.memory_space<vmem>>
        %dma_wait3A_623 = tpu.memref_squeeze %dma_wait3A_622 : memref<1x64xi32, #tpu.memory_space<vmem>> -> memref<64xi32, #tpu.memory_space<vmem>>
        %dma_wait3A_624 = arith.constant 0 : i32
        %dma_wait3A_625 = arith.constant 0 : i32
        %dma_wait3A_626 = tpu.memref_slice %arg2[%dma_wait3A_624, %dma_wait3A_625] : memref<10000x128xf32, #tpu.memory_space<hbm>> -> memref<10000x128xf32, #tpu.memory_space<hbm>>
        tpu.wait_indirect_dma semaphore(%arg21 : memref<!tpu.dma_semaphore, #tpu.memory_space<semaphore_mem>>) src(%dma_wait3A_626 : memref<10000x128xf32, #tpu.memory_space<hbm>>) dst(%arg16 : memref<64x128xf32, #tpu.memory_space<vmem>>)
        %jit3A_627 = arith.constant 2 : i32
        %div3A_628 = arith.divsi %add3A_579, %jit3A_627 : i32
        %sign3A_629 = arith.constant 0 : i32
        %sign3A_630 = arith.cmpi sgt, %add3A_579, %sign3A_629 : i32
        %sign3A_631 = arith.extui %sign3A_630 : i1 to i32
        %sign3A_632 = arith.constant 0 : i32
        %sign3A_633 = arith.cmpi slt, %add3A_579, %sign3A_632 : i32
        %sign3A_634 = arith.extui %sign3A_633 : i1 to i32
        %sign3A_635 = arith.subi %sign3A_631, %sign3A_634 : i32
        %sign3A_636 = arith.constant 0 : i32
        %sign3A_637 = arith.cmpi sgt, %jit3A_627, %sign3A_636 : i32
        %sign3A_638 = arith.extui %sign3A_637 : i1 to i32
        %sign3A_639 = arith.constant 0 : i32
        %sign3A_640 = arith.cmpi slt, %jit3A_627, %sign3A_639 : i32
        %sign3A_641 = arith.extui %sign3A_640 : i1 to i32
        %sign3A_642 = arith.subi %sign3A_638, %sign3A_641 : i32
        %ne3A_643 = arith.cmpi ne, %sign3A_635, %sign3A_642 : i32
        %rem3A_644 = arith.remsi %add3A_579, %jit3A_627 : i32
        %ne3A_645 = arith.constant 0 : i32
        %ne3A_646 = arith.cmpi ne, %rem3A_644, %ne3A_645 : i32
        %and3A_647 = arith.andi %ne3A_643, %ne3A_646 : i1
        %sub3A_648 = arith.constant 1 : i32
        %sub3A_649 = arith.subi %div3A_628, %sub3A_648 : i32
        %select_n3A_650 = arith.select %and3A_647, %sub3A_649, %div3A_628 : i32
        %jit3A_651 = arith.constant 2 : i32
        %eq3A_652 = arith.constant 0 : i32
        %eq3A_653 = arith.cmpi eq, %jit3A_651, %eq3A_652 : i32
        %jit3A_654 = arith.constant 1 : i32
        %select_n3A_655 = arith.select %eq3A_653, %jit3A_654, %jit3A_651 : i32
        %rem3A_656 = arith.remsi %add3A_579, %select_n3A_655 : i32
        %ne3A_657 = arith.constant 0 : i32
        %ne3A_658 = arith.cmpi ne, %rem3A_656, %ne3A_657 : i32
        %lt3A_659 = arith.constant 0 : i32
        %lt3A_660 = arith.cmpi slt, %rem3A_656, %lt3A_659 : i32
        %lt3A_661 = arith.constant 0 : i32
        %lt3A_662 = arith.cmpi slt, %select_n3A_655, %lt3A_661 : i32
        %ne3A_663 = arith.xori %lt3A_660, %lt3A_662 : i1
        %and3A_664 = arith.andi %ne3A_663, %ne3A_658 : i1
        %add3A_665 = arith.addi %rem3A_656, %select_n3A_655 : i32
        %select_n3A_666 = arith.select %and3A_664, %add3A_665, %rem3A_656 : i32
        %mul3A_667 = arith.constant 64 : i32
        %mul3A_668 = arith.muli %select_n3A_666, %mul3A_667 : i32
        "tpu.region"() ({
          %run_scoped3A_868 = tpu.sem_alloc : memref<!tpu.dma_semaphore, #tpu.memory_space<semaphore_mem>>
          %dma_start3A_869 = tpu.memref_slice %arg13[%select_n3A_650, %mul3A_668] : memref<40x128xi32, #tpu.memory_space<vmem>> -> memref<1x64xi32, #tpu.memory_space<vmem>>
          %dma_start3A_870 = tpu.memref_squeeze %dma_start3A_869 : memref<1x64xi32, #tpu.memory_space<vmem>> -> memref<64xi32, #tpu.memory_space<vmem>>
          %dma_start3A_871 = arith.constant 0 : i32
          %dma_start3A_872 = arith.constant 0 : i32
          %dma_start3A_873 = tpu.memref_slice %arg10[%dma_start3A_871, %dma_start3A_872] : memref<10240x128xf32, #tpu.memory_space<vmem_shared>> -> memref<10240x128xf32, #tpu.memory_space<vmem_shared>>
          tpu.enqueue_indirect_dma source(%arg16 : memref<64x128xf32, #tpu.memory_space<vmem>>) target(%dma_start3A_873 : memref<10240x128xf32, #tpu.memory_space<vmem_shared>>) offsets(%dma_start3A_870 : memref<64xi32, #tpu.memory_space<vmem>>) semaphore(%run_scoped3A_868 : memref<!tpu.dma_semaphore, #tpu.memory_space<semaphore_mem>>) {add = true}
          %dma_wait3A_874 = tpu.memref_slice %arg13[%select_n3A_650, %mul3A_668] : memref<40x128xi32, #tpu.memory_space<vmem>> -> memref<1x64xi32, #tpu.memory_space<vmem>>
          %dma_wait3A_875 = tpu.memref_squeeze %dma_wait3A_874 : memref<1x64xi32, #tpu.memory_space<vmem>> -> memref<64xi32, #tpu.memory_space<vmem>>
          %dma_wait3A_876 = arith.constant 0 : i32
          %dma_wait3A_877 = arith.constant 0 : i32
          %dma_wait3A_878 = tpu.memref_slice %arg10[%dma_wait3A_876, %dma_wait3A_877] : memref<10240x128xf32, #tpu.memory_space<vmem_shared>> -> memref<10240x128xf32, #tpu.memory_space<vmem_shared>>
          tpu.wait_indirect_dma semaphore(%run_scoped3A_868 : memref<!tpu.dma_semaphore, #tpu.memory_space<semaphore_mem>>) src(%arg16 : memref<64x128xf32, #tpu.memory_space<vmem>>) dst(%dma_wait3A_878 : memref<10240x128xf32, #tpu.memory_space<vmem_shared>>)
          tpu.yield
        }) : () -> ()
        "tpu.region"() ({
          %run_scoped3A_868 = tpu.sem_alloc : memref<!tpu.dma_semaphore, #tpu.memory_space<semaphore_mem>>
          %dma_start3A_869 = tpu.memref_slice %arg13[%select_n3A_650, %mul3A_668] : memref<40x128xi32, #tpu.memory_space<vmem>> -> memref<1x64xi32, #tpu.memory_space<vmem>>
          %dma_start3A_870 = tpu.memref_squeeze %dma_start3A_869 : memref<1x64xi32, #tpu.memory_space<vmem>> -> memref<64xi32, #tpu.memory_space<vmem>>
          %dma_start3A_871 = arith.constant 0 : i32
          %dma_start3A_872 = tpu.memref_slice %arg11[%dma_start3A_871] : memref<10240xf32, #tpu.memory_space<vmem_shared>> -> memref<10240xf32, #tpu.memory_space<vmem_shared>>
          tpu.enqueue_indirect_dma source(%arg18 : memref<64xf32, #tpu.memory_space<vmem>>) target(%dma_start3A_872 : memref<10240xf32, #tpu.memory_space<vmem_shared>>) offsets(%dma_start3A_870 : memref<64xi32, #tpu.memory_space<vmem>>) semaphore(%run_scoped3A_868 : memref<!tpu.dma_semaphore, #tpu.memory_space<semaphore_mem>>) {add = true}
          %dma_wait3A_873 = tpu.memref_slice %arg13[%select_n3A_650, %mul3A_668] : memref<40x128xi32, #tpu.memory_space<vmem>> -> memref<1x64xi32, #tpu.memory_space<vmem>>
          %dma_wait3A_874 = tpu.memref_squeeze %dma_wait3A_873 : memref<1x64xi32, #tpu.memory_space<vmem>> -> memref<64xi32, #tpu.memory_space<vmem>>
          %dma_wait3A_875 = arith.constant 0 : i32
          %dma_wait3A_876 = tpu.memref_slice %arg11[%dma_wait3A_875] : memref<10240xf32, #tpu.memory_space<vmem_shared>> -> memref<10240xf32, #tpu.memory_space<vmem_shared>>
          tpu.wait_indirect_dma semaphore(%run_scoped3A_868 : memref<!tpu.dma_semaphore, #tpu.memory_space<semaphore_mem>>) src(%arg18 : memref<64xf32, #tpu.memory_space<vmem>>) dst(%dma_wait3A_876 : memref<10240xf32, #tpu.memory_space<vmem_shared>>)
          tpu.yield
        }) : () -> ()
        %mul3A_669 = arith.constant 4 : i32
        %mul3A_670 = arith.muli %mul3A_669, %scan3A_293 : i32
        %add3A_671 = arith.constant 4 : i32
        %add3A_672 = arith.addi %mul3A_670, %add3A_671 : i32
        %add3A_673 = arith.constant 2 : i32
        %add3A_674 = arith.addi %add3A_672, %add3A_673 : i32
        %jit3A_675 = arith.constant 2 : i32
        %div3A_676 = arith.divsi %add3A_674, %jit3A_675 : i32
        %sign3A_677 = arith.constant 0 : i32
        %sign3A_678 = arith.cmpi sgt, %add3A_674, %sign3A_677 : i32
        %sign3A_679 = arith.extui %sign3A_678 : i1 to i32
        %sign3A_680 = arith.constant 0 : i32
        %sign3A_681 = arith.cmpi slt, %add3A_674, %sign3A_680 : i32
        %sign3A_682 = arith.extui %sign3A_681 : i1 to i32
        %sign3A_683 = arith.subi %sign3A_679, %sign3A_682 : i32
        %sign3A_684 = arith.constant 0 : i32
        %sign3A_685 = arith.cmpi sgt, %jit3A_675, %sign3A_684 : i32
        %sign3A_686 = arith.extui %sign3A_685 : i1 to i32
        %sign3A_687 = arith.constant 0 : i32
        %sign3A_688 = arith.cmpi slt, %jit3A_675, %sign3A_687 : i32
        %sign3A_689 = arith.extui %sign3A_688 : i1 to i32
        %sign3A_690 = arith.subi %sign3A_686, %sign3A_689 : i32
        %ne3A_691 = arith.cmpi ne, %sign3A_683, %sign3A_690 : i32
        %rem3A_692 = arith.remsi %add3A_674, %jit3A_675 : i32
        %ne3A_693 = arith.constant 0 : i32
        %ne3A_694 = arith.cmpi ne, %rem3A_692, %ne3A_693 : i32
        %and3A_695 = arith.andi %ne3A_691, %ne3A_694 : i1
        %sub3A_696 = arith.constant 1 : i32
        %sub3A_697 = arith.subi %div3A_676, %sub3A_696 : i32
        %select_n3A_698 = arith.select %and3A_695, %sub3A_697, %div3A_676 : i32
        %jit3A_699 = arith.constant 2 : i32
        %eq3A_700 = arith.constant 0 : i32
        %eq3A_701 = arith.cmpi eq, %jit3A_699, %eq3A_700 : i32
        %jit3A_702 = arith.constant 1 : i32
        %select_n3A_703 = arith.select %eq3A_701, %jit3A_702, %jit3A_699 : i32
        %rem3A_704 = arith.remsi %add3A_674, %select_n3A_703 : i32
        %ne3A_705 = arith.constant 0 : i32
        %ne3A_706 = arith.cmpi ne, %rem3A_704, %ne3A_705 : i32
        %lt3A_707 = arith.constant 0 : i32
        %lt3A_708 = arith.cmpi slt, %rem3A_704, %lt3A_707 : i32
        %lt3A_709 = arith.constant 0 : i32
        %lt3A_710 = arith.cmpi slt, %select_n3A_703, %lt3A_709 : i32
        %ne3A_711 = arith.xori %lt3A_708, %lt3A_710 : i1
        %and3A_712 = arith.andi %ne3A_711, %ne3A_706 : i1
        %add3A_713 = arith.addi %rem3A_704, %select_n3A_703 : i32
        %select_n3A_714 = arith.select %and3A_712, %add3A_713, %rem3A_704 : i32
        %mul3A_715 = arith.constant 64 : i32
        %mul3A_716 = arith.muli %select_n3A_714, %mul3A_715 : i32
        %dma_start3A_717 = tpu.memref_slice %arg12[%select_n3A_698, %mul3A_716] : memref<40x128xi32, #tpu.memory_space<vmem>> -> memref<1x64xi32, #tpu.memory_space<vmem>>
        %dma_start3A_718 = tpu.memref_squeeze %dma_start3A_717 : memref<1x64xi32, #tpu.memory_space<vmem>> -> memref<64xi32, #tpu.memory_space<vmem>>
        %dma_start3A_719 = arith.constant 0 : i32
        %dma_start3A_720 = arith.constant 0 : i32
        %dma_start3A_721 = tpu.memref_slice %arg2[%dma_start3A_719, %dma_start3A_720] : memref<10000x128xf32, #tpu.memory_space<hbm>> -> memref<10000x128xf32, #tpu.memory_space<hbm>>
        tpu.enqueue_indirect_dma source(%dma_start3A_721 : memref<10000x128xf32, #tpu.memory_space<hbm>>) target(%arg16 : memref<64x128xf32, #tpu.memory_space<vmem>>) offsets(%dma_start3A_718 : memref<64xi32, #tpu.memory_space<vmem>>) semaphore(%arg21 : memref<!tpu.dma_semaphore, #tpu.memory_space<semaphore_mem>>)
        %mul3A_722 = arith.constant 4 : i32
        %mul3A_723 = arith.muli %mul3A_722, %scan3A_293 : i32
        %add3A_724 = arith.constant 3 : i32
        %add3A_725 = arith.addi %mul3A_723, %add3A_724 : i32
        %jit3A_726 = arith.constant 2 : i32
        %div3A_727 = arith.divsi %add3A_725, %jit3A_726 : i32
        %sign3A_728 = arith.constant 0 : i32
        %sign3A_729 = arith.cmpi sgt, %add3A_725, %sign3A_728 : i32
        %sign3A_730 = arith.extui %sign3A_729 : i1 to i32
        %sign3A_731 = arith.constant 0 : i32
        %sign3A_732 = arith.cmpi slt, %add3A_725, %sign3A_731 : i32
        %sign3A_733 = arith.extui %sign3A_732 : i1 to i32
        %sign3A_734 = arith.subi %sign3A_730, %sign3A_733 : i32
        %sign3A_735 = arith.constant 0 : i32
        %sign3A_736 = arith.cmpi sgt, %jit3A_726, %sign3A_735 : i32
        %sign3A_737 = arith.extui %sign3A_736 : i1 to i32
        %sign3A_738 = arith.constant 0 : i32
        %sign3A_739 = arith.cmpi slt, %jit3A_726, %sign3A_738 : i32
        %sign3A_740 = arith.extui %sign3A_739 : i1 to i32
        %sign3A_741 = arith.subi %sign3A_737, %sign3A_740 : i32
        %ne3A_742 = arith.cmpi ne, %sign3A_734, %sign3A_741 : i32
        %rem3A_743 = arith.remsi %add3A_725, %jit3A_726 : i32
        %ne3A_744 = arith.constant 0 : i32
        %ne3A_745 = arith.cmpi ne, %rem3A_743, %ne3A_744 : i32
        %and3A_746 = arith.andi %ne3A_742, %ne3A_745 : i1
        %sub3A_747 = arith.constant 1 : i32
        %sub3A_748 = arith.subi %div3A_727, %sub3A_747 : i32
        %select_n3A_749 = arith.select %and3A_746, %sub3A_748, %div3A_727 : i32
        %jit3A_750 = arith.constant 2 : i32
        %eq3A_751 = arith.constant 0 : i32
        %eq3A_752 = arith.cmpi eq, %jit3A_750, %eq3A_751 : i32
        %jit3A_753 = arith.constant 1 : i32
        %select_n3A_754 = arith.select %eq3A_752, %jit3A_753, %jit3A_750 : i32
        %rem3A_755 = arith.remsi %add3A_725, %select_n3A_754 : i32
        %ne3A_756 = arith.constant 0 : i32
        %ne3A_757 = arith.cmpi ne, %rem3A_755, %ne3A_756 : i32
        %lt3A_758 = arith.constant 0 : i32
        %lt3A_759 = arith.cmpi slt, %rem3A_755, %lt3A_758 : i32
        %lt3A_760 = arith.constant 0 : i32
        %lt3A_761 = arith.cmpi slt, %select_n3A_754, %lt3A_760 : i32
        %ne3A_762 = arith.xori %lt3A_759, %lt3A_761 : i1
        %and3A_763 = arith.andi %ne3A_762, %ne3A_757 : i1
        %add3A_764 = arith.addi %rem3A_755, %select_n3A_754 : i32
        %select_n3A_765 = arith.select %and3A_763, %add3A_764, %rem3A_755 : i32
        %mul3A_766 = arith.constant 64 : i32
        %mul3A_767 = arith.muli %select_n3A_765, %mul3A_766 : i32
        %dma_wait3A_768 = tpu.memref_slice %arg12[%select_n3A_749, %mul3A_767] : memref<40x128xi32, #tpu.memory_space<vmem>> -> memref<1x64xi32, #tpu.memory_space<vmem>>
        %dma_wait3A_769 = tpu.memref_squeeze %dma_wait3A_768 : memref<1x64xi32, #tpu.memory_space<vmem>> -> memref<64xi32, #tpu.memory_space<vmem>>
        %dma_wait3A_770 = arith.constant 0 : i32
        %dma_wait3A_771 = arith.constant 0 : i32
        %dma_wait3A_772 = tpu.memref_slice %arg2[%dma_wait3A_770, %dma_wait3A_771] : memref<10000x128xf32, #tpu.memory_space<hbm>> -> memref<10000x128xf32, #tpu.memory_space<hbm>>
        tpu.wait_indirect_dma semaphore(%arg22 : memref<!tpu.dma_semaphore, #tpu.memory_space<semaphore_mem>>) src(%dma_wait3A_772 : memref<10000x128xf32, #tpu.memory_space<hbm>>) dst(%arg17 : memref<64x128xf32, #tpu.memory_space<vmem>>)
        %jit3A_773 = arith.constant 2 : i32
        %div3A_774 = arith.divsi %add3A_725, %jit3A_773 : i32
        %sign3A_775 = arith.constant 0 : i32
        %sign3A_776 = arith.cmpi sgt, %add3A_725, %sign3A_775 : i32
        %sign3A_777 = arith.extui %sign3A_776 : i1 to i32
        %sign3A_778 = arith.constant 0 : i32
        %sign3A_779 = arith.cmpi slt, %add3A_725, %sign3A_778 : i32
        %sign3A_780 = arith.extui %sign3A_779 : i1 to i32
        %sign3A_781 = arith.subi %sign3A_777, %sign3A_780 : i32
        %sign3A_782 = arith.constant 0 : i32
        %sign3A_783 = arith.cmpi sgt, %jit3A_773, %sign3A_782 : i32
        %sign3A_784 = arith.extui %sign3A_783 : i1 to i32
        %sign3A_785 = arith.constant 0 : i32
        %sign3A_786 = arith.cmpi slt, %jit3A_773, %sign3A_785 : i32
        %sign3A_787 = arith.extui %sign3A_786 : i1 to i32
        %sign3A_788 = arith.subi %sign3A_784, %sign3A_787 : i32
        %ne3A_789 = arith.cmpi ne, %sign3A_781, %sign3A_788 : i32
        %rem3A_790 = arith.remsi %add3A_725, %jit3A_773 : i32
        %ne3A_791 = arith.constant 0 : i32
        %ne3A_792 = arith.cmpi ne, %rem3A_790, %ne3A_791 : i32
        %and3A_793 = arith.andi %ne3A_789, %ne3A_792 : i1
        %sub3A_794 = arith.constant 1 : i32
        %sub3A_795 = arith.subi %div3A_774, %sub3A_794 : i32
        %select_n3A_796 = arith.select %and3A_793, %sub3A_795, %div3A_774 : i32
        %jit3A_797 = arith.constant 2 : i32
        %eq3A_798 = arith.constant 0 : i32
        %eq3A_799 = arith.cmpi eq, %jit3A_797, %eq3A_798 : i32
        %jit3A_800 = arith.constant 1 : i32
        %select_n3A_801 = arith.select %eq3A_799, %jit3A_800, %jit3A_797 : i32
        %rem3A_802 = arith.remsi %add3A_725, %select_n3A_801 : i32
        %ne3A_803 = arith.constant 0 : i32
        %ne3A_804 = arith.cmpi ne, %rem3A_802, %ne3A_803 : i32
        %lt3A_805 = arith.constant 0 : i32
        %lt3A_806 = arith.cmpi slt, %rem3A_802, %lt3A_805 : i32
        %lt3A_807 = arith.constant 0 : i32
        %lt3A_808 = arith.cmpi slt, %select_n3A_801, %lt3A_807 : i32
        %ne3A_809 = arith.xori %lt3A_806, %lt3A_808 : i1
        %and3A_810 = arith.andi %ne3A_809, %ne3A_804 : i1
        %add3A_811 = arith.addi %rem3A_802, %select_n3A_801 : i32
        %select_n3A_812 = arith.select %and3A_810, %add3A_811, %rem3A_802 : i32
        %mul3A_813 = arith.constant 64 : i32
        %mul3A_814 = arith.muli %select_n3A_812, %mul3A_813 : i32
        "tpu.region"() ({
          %run_scoped3A_868 = tpu.sem_alloc : memref<!tpu.dma_semaphore, #tpu.memory_space<semaphore_mem>>
          %dma_start3A_869 = tpu.memref_slice %arg13[%select_n3A_796, %mul3A_814] : memref<40x128xi32, #tpu.memory_space<vmem>> -> memref<1x64xi32, #tpu.memory_space<vmem>>
          %dma_start3A_870 = tpu.memref_squeeze %dma_start3A_869 : memref<1x64xi32, #tpu.memory_space<vmem>> -> memref<64xi32, #tpu.memory_space<vmem>>
          %dma_start3A_871 = arith.constant 0 : i32
          %dma_start3A_872 = arith.constant 0 : i32
          %dma_start3A_873 = tpu.memref_slice %arg10[%dma_start3A_871, %dma_start3A_872] : memref<10240x128xf32, #tpu.memory_space<vmem_shared>> -> memref<10240x128xf32, #tpu.memory_space<vmem_shared>>
          tpu.enqueue_indirect_dma source(%arg17 : memref<64x128xf32, #tpu.memory_space<vmem>>) target(%dma_start3A_873 : memref<10240x128xf32, #tpu.memory_space<vmem_shared>>) offsets(%dma_start3A_870 : memref<64xi32, #tpu.memory_space<vmem>>) semaphore(%run_scoped3A_868 : memref<!tpu.dma_semaphore, #tpu.memory_space<semaphore_mem>>) {add = true}
          %dma_wait3A_874 = tpu.memref_slice %arg13[%select_n3A_796, %mul3A_814] : memref<40x128xi32, #tpu.memory_space<vmem>> -> memref<1x64xi32, #tpu.memory_space<vmem>>
          %dma_wait3A_875 = tpu.memref_squeeze %dma_wait3A_874 : memref<1x64xi32, #tpu.memory_space<vmem>> -> memref<64xi32, #tpu.memory_space<vmem>>
          %dma_wait3A_876 = arith.constant 0 : i32
          %dma_wait3A_877 = arith.constant 0 : i32
          %dma_wait3A_878 = tpu.memref_slice %arg10[%dma_wait3A_876, %dma_wait3A_877] : memref<10240x128xf32, #tpu.memory_space<vmem_shared>> -> memref<10240x128xf32, #tpu.memory_space<vmem_shared>>
          tpu.wait_indirect_dma semaphore(%run_scoped3A_868 : memref<!tpu.dma_semaphore, #tpu.memory_space<semaphore_mem>>) src(%arg17 : memref<64x128xf32, #tpu.memory_space<vmem>>) dst(%dma_wait3A_878 : memref<10240x128xf32, #tpu.memory_space<vmem_shared>>)
          tpu.yield
        }) : () -> ()
        "tpu.region"() ({
          %run_scoped3A_868 = tpu.sem_alloc : memref<!tpu.dma_semaphore, #tpu.memory_space<semaphore_mem>>
          %dma_start3A_869 = tpu.memref_slice %arg13[%select_n3A_796, %mul3A_814] : memref<40x128xi32, #tpu.memory_space<vmem>> -> memref<1x64xi32, #tpu.memory_space<vmem>>
          %dma_start3A_870 = tpu.memref_squeeze %dma_start3A_869 : memref<1x64xi32, #tpu.memory_space<vmem>> -> memref<64xi32, #tpu.memory_space<vmem>>
          %dma_start3A_871 = arith.constant 0 : i32
          %dma_start3A_872 = tpu.memref_slice %arg11[%dma_start3A_871] : memref<10240xf32, #tpu.memory_space<vmem_shared>> -> memref<10240xf32, #tpu.memory_space<vmem_shared>>
          tpu.enqueue_indirect_dma source(%arg18 : memref<64xf32, #tpu.memory_space<vmem>>) target(%dma_start3A_872 : memref<10240xf32, #tpu.memory_space<vmem_shared>>) offsets(%dma_start3A_870 : memref<64xi32, #tpu.memory_space<vmem>>) semaphore(%run_scoped3A_868 : memref<!tpu.dma_semaphore, #tpu.memory_space<semaphore_mem>>) {add = true}
          %dma_wait3A_873 = tpu.memref_slice %arg13[%select_n3A_796, %mul3A_814] : memref<40x128xi32, #tpu.memory_space<vmem>> -> memref<1x64xi32, #tpu.memory_space<vmem>>
          %dma_wait3A_874 = tpu.memref_squeeze %dma_wait3A_873 : memref<1x64xi32, #tpu.memory_space<vmem>> -> memref<64xi32, #tpu.memory_space<vmem>>
          %dma_wait3A_875 = arith.constant 0 : i32
          %dma_wait3A_876 = tpu.memref_slice %arg11[%dma_wait3A_875] : memref<10240xf32, #tpu.memory_space<vmem_shared>> -> memref<10240xf32, #tpu.memory_space<vmem_shared>>
          tpu.wait_indirect_dma semaphore(%run_scoped3A_868 : memref<!tpu.dma_semaphore, #tpu.memory_space<semaphore_mem>>) src(%arg18 : memref<64xf32, #tpu.memory_space<vmem>>) dst(%dma_wait3A_876 : memref<10240xf32, #tpu.memory_space<vmem_shared>>)
          tpu.yield
        }) : () -> ()
        %mul3A_815 = arith.constant 4 : i32
        %mul3A_816 = arith.muli %mul3A_815, %scan3A_293 : i32
        %add3A_817 = arith.constant 4 : i32
        %add3A_818 = arith.addi %mul3A_816, %add3A_817 : i32
        %add3A_819 = arith.constant 3 : i32
        %add3A_820 = arith.addi %add3A_818, %add3A_819 : i32
        %jit3A_821 = arith.constant 2 : i32
        %div3A_822 = arith.divsi %add3A_820, %jit3A_821 : i32
        %sign3A_823 = arith.constant 0 : i32
        %sign3A_824 = arith.cmpi sgt, %add3A_820, %sign3A_823 : i32
        %sign3A_825 = arith.extui %sign3A_824 : i1 to i32
        %sign3A_826 = arith.constant 0 : i32
        %sign3A_827 = arith.cmpi slt, %add3A_820, %sign3A_826 : i32
        %sign3A_828 = arith.extui %sign3A_827 : i1 to i32
        %sign3A_829 = arith.subi %sign3A_825, %sign3A_828 : i32
        %sign3A_830 = arith.constant 0 : i32
        %sign3A_831 = arith.cmpi sgt, %jit3A_821, %sign3A_830 : i32
        %sign3A_832 = arith.extui %sign3A_831 : i1 to i32
        %sign3A_833 = arith.constant 0 : i32
        %sign3A_834 = arith.cmpi slt, %jit3A_821, %sign3A_833 : i32
        %sign3A_835 = arith.extui %sign3A_834 : i1 to i32
        %sign3A_836 = arith.subi %sign3A_832, %sign3A_835 : i32
        %ne3A_837 = arith.cmpi ne, %sign3A_829, %sign3A_836 : i32
        %rem3A_838 = arith.remsi %add3A_820, %jit3A_821 : i32
        %ne3A_839 = arith.constant 0 : i32
        %ne3A_840 = arith.cmpi ne, %rem3A_838, %ne3A_839 : i32
        %and3A_841 = arith.andi %ne3A_837, %ne3A_840 : i1
        %sub3A_842 = arith.constant 1 : i32
        %sub3A_843 = arith.subi %div3A_822, %sub3A_842 : i32
        %select_n3A_844 = arith.select %and3A_841, %sub3A_843, %div3A_822 : i32
        %jit3A_845 = arith.constant 2 : i32
        %eq3A_846 = arith.constant 0 : i32
        %eq3A_847 = arith.cmpi eq, %jit3A_845, %eq3A_846 : i32
        %jit3A_848 = arith.constant 1 : i32
        %select_n3A_849 = arith.select %eq3A_847, %jit3A_848, %jit3A_845 : i32
        %rem3A_850 = arith.remsi %add3A_820, %select_n3A_849 : i32
        %ne3A_851 = arith.constant 0 : i32
        %ne3A_852 = arith.cmpi ne, %rem3A_850, %ne3A_851 : i32
        %lt3A_853 = arith.constant 0 : i32
        %lt3A_854 = arith.cmpi slt, %rem3A_850, %lt3A_853 : i32
        %lt3A_855 = arith.constant 0 : i32
        %lt3A_856 = arith.cmpi slt, %select_n3A_849, %lt3A_855 : i32
        %ne3A_857 = arith.xori %lt3A_854, %lt3A_856 : i1
        %and3A_858 = arith.andi %ne3A_857, %ne3A_852 : i1
        %add3A_859 = arith.addi %rem3A_850, %select_n3A_849 : i32
        %select_n3A_860 = arith.select %and3A_858, %add3A_859, %rem3A_850 : i32
        %mul3A_861 = arith.constant 64 : i32
        %mul3A_862 = arith.muli %select_n3A_860, %mul3A_861 : i32
        %dma_start3A_863 = tpu.memref_slice %arg12[%select_n3A_844, %mul3A_862] : memref<40x128xi32, #tpu.memory_space<vmem>> -> memref<1x64xi32, #tpu.memory_space<vmem>>
        %dma_start3A_864 = tpu.memref_squeeze %dma_start3A_863 : memref<1x64xi32, #tpu.memory_space<vmem>> -> memref<64xi32, #tpu.memory_space<vmem>>
        %dma_start3A_865 = arith.constant 0 : i32
        %dma_start3A_866 = arith.constant 0 : i32
        %dma_start3A_867 = tpu.memref_slice %arg2[%dma_start3A_865, %dma_start3A_866] : memref<10000x128xf32, #tpu.memory_space<hbm>> -> memref<10000x128xf32, #tpu.memory_space<hbm>>
        tpu.enqueue_indirect_dma source(%dma_start3A_867 : memref<10000x128xf32, #tpu.memory_space<hbm>>) target(%arg17 : memref<64x128xf32, #tpu.memory_space<vmem>>) offsets(%dma_start3A_864 : memref<64xi32, #tpu.memory_space<vmem>>) semaphore(%arg22 : memref<!tpu.dma_semaphore, #tpu.memory_space<semaphore_mem>>)
      }
      %scan3A_193 = arith.constant 18 : i32
      %dma_wait3A_194 = arith.constant 36 : i32
      %dma_wait3A_195 = arith.constant 0 : i32
      %dma_wait3A_196 = tpu.memref_slice %arg12[%dma_wait3A_194, %dma_wait3A_195] : memref<40x128xi32, #tpu.memory_space<vmem>> -> memref<1x64xi32, #tpu.memory_space<vmem>>
      %dma_wait3A_197 = tpu.memref_squeeze %dma_wait3A_196 : memref<1x64xi32, #tpu.memory_space<vmem>> -> memref<64xi32, #tpu.memory_space<vmem>>
      %dma_wait3A_198 = arith.constant 0 : i32
      %dma_wait3A_199 = arith.constant 0 : i32
      %dma_wait3A_200 = tpu.memref_slice %arg2[%dma_wait3A_198, %dma_wait3A_199] : memref<10000x128xf32, #tpu.memory_space<hbm>> -> memref<10000x128xf32, #tpu.memory_space<hbm>>
      tpu.wait_indirect_dma semaphore(%arg19 : memref<!tpu.dma_semaphore, #tpu.memory_space<semaphore_mem>>) src(%dma_wait3A_200 : memref<10000x128xf32, #tpu.memory_space<hbm>>) dst(%arg14 : memref<64x128xf32, #tpu.memory_space<vmem>>)
      %run_scoped3A = arith.constant 36 : i32
      "tpu.region"() ({
        %run_scoped3A_293 = tpu.sem_alloc : memref<!tpu.dma_semaphore, #tpu.memory_space<semaphore_mem>>
        %dma_start3A_294 = arith.constant 0 : i32
        %dma_start3A_295 = tpu.memref_slice %arg13[%run_scoped3A, %dma_start3A_294] : memref<40x128xi32, #tpu.memory_space<vmem>> -> memref<1x64xi32, #tpu.memory_space<vmem>>
        %dma_start3A_296 = tpu.memref_squeeze %dma_start3A_295 : memref<1x64xi32, #tpu.memory_space<vmem>> -> memref<64xi32, #tpu.memory_space<vmem>>
        %dma_start3A_297 = arith.constant 0 : i32
        %dma_start3A_298 = arith.constant 0 : i32
        %dma_start3A_299 = tpu.memref_slice %arg10[%dma_start3A_297, %dma_start3A_298] : memref<10240x128xf32, #tpu.memory_space<vmem_shared>> -> memref<10240x128xf32, #tpu.memory_space<vmem_shared>>
        tpu.enqueue_indirect_dma source(%arg14 : memref<64x128xf32, #tpu.memory_space<vmem>>) target(%dma_start3A_299 : memref<10240x128xf32, #tpu.memory_space<vmem_shared>>) offsets(%dma_start3A_296 : memref<64xi32, #tpu.memory_space<vmem>>) semaphore(%run_scoped3A_293 : memref<!tpu.dma_semaphore, #tpu.memory_space<semaphore_mem>>) {add = true}
        %dma_wait3A_300 = arith.constant 0 : i32
        %dma_wait3A_301 = tpu.memref_slice %arg13[%run_scoped3A, %dma_wait3A_300] : memref<40x128xi32, #tpu.memory_space<vmem>> -> memref<1x64xi32, #tpu.memory_space<vmem>>
        %dma_wait3A_302 = tpu.memref_squeeze %dma_wait3A_301 : memref<1x64xi32, #tpu.memory_space<vmem>> -> memref<64xi32, #tpu.memory_space<vmem>>
        %dma_wait3A_303 = arith.constant 0 : i32
        %dma_wait3A_304 = arith.constant 0 : i32
        %dma_wait3A_305 = tpu.memref_slice %arg10[%dma_wait3A_303, %dma_wait3A_304] : memref<10240x128xf32, #tpu.memory_space<vmem_shared>> -> memref<10240x128xf32, #tpu.memory_space<vmem_shared>>
        tpu.wait_indirect_dma semaphore(%run_scoped3A_293 : memref<!tpu.dma_semaphore, #tpu.memory_space<semaphore_mem>>) src(%arg14 : memref<64x128xf32, #tpu.memory_space<vmem>>) dst(%dma_wait3A_305 : memref<10240x128xf32, #tpu.memory_space<vmem_shared>>)
        tpu.yield
      }) : () -> ()
      %run_scoped3A_201 = arith.constant 36 : i32
      "tpu.region"() ({
        %run_scoped3A_293 = tpu.sem_alloc : memref<!tpu.dma_semaphore, #tpu.memory_space<semaphore_mem>>
        %dma_start3A_294 = arith.constant 0 : i32
        %dma_start3A_295 = tpu.memref_slice %arg13[%run_scoped3A_201, %dma_start3A_294] : memref<40x128xi32, #tpu.memory_space<vmem>> -> memref<1x64xi32, #tpu.memory_space<vmem>>
        %dma_start3A_296 = tpu.memref_squeeze %dma_start3A_295 : memref<1x64xi32, #tpu.memory_space<vmem>> -> memref<64xi32, #tpu.memory_space<vmem>>
        %dma_start3A_297 = arith.constant 0 : i32
        %dma_start3A_298 = tpu.memref_slice %arg11[%dma_start3A_297] : memref<10240xf32, #tpu.memory_space<vmem_shared>> -> memref<10240xf32, #tpu.memory_space<vmem_shared>>
        tpu.enqueue_indirect_dma source(%arg18 : memref<64xf32, #tpu.memory_space<vmem>>) target(%dma_start3A_298 : memref<10240xf32, #tpu.memory_space<vmem_shared>>) offsets(%dma_start3A_296 : memref<64xi32, #tpu.memory_space<vmem>>) semaphore(%run_scoped3A_293 : memref<!tpu.dma_semaphore, #tpu.memory_space<semaphore_mem>>) {add = true}
        %dma_wait3A_299 = arith.constant 0 : i32
        %dma_wait3A_300 = tpu.memref_slice %arg13[%run_scoped3A_201, %dma_wait3A_299] : memref<40x128xi32, #tpu.memory_space<vmem>> -> memref<1x64xi32, #tpu.memory_space<vmem>>
        %dma_wait3A_301 = tpu.memref_squeeze %dma_wait3A_300 : memref<1x64xi32, #tpu.memory_space<vmem>> -> memref<64xi32, #tpu.memory_space<vmem>>
        %dma_wait3A_302 = arith.constant 0 : i32
        %dma_wait3A_303 = tpu.memref_slice %arg11[%dma_wait3A_302] : memref<10240xf32, #tpu.memory_space<vmem_shared>> -> memref<10240xf32, #tpu.memory_space<vmem_shared>>
        tpu.wait_indirect_dma semaphore(%run_scoped3A_293 : memref<!tpu.dma_semaphore, #tpu.memory_space<semaphore_mem>>) src(%arg18 : memref<64xf32, #tpu.memory_space<vmem>>) dst(%dma_wait3A_303 : memref<10240xf32, #tpu.memory_space<vmem_shared>>)
        tpu.yield
      }) : () -> ()
      %dma_start3A_202 = arith.constant 38 : i32
      %dma_start3A_203 = arith.constant 0 : i32
      %dma_start3A_204 = tpu.memref_slice %arg12[%dma_start3A_202, %dma_start3A_203] : memref<40x128xi32, #tpu.memory_space<vmem>> -> memref<1x64xi32, #tpu.memory_space<vmem>>
      %dma_start3A_205 = tpu.memref_squeeze %dma_start3A_204 : memref<1x64xi32, #tpu.memory_space<vmem>> -> memref<64xi32, #tpu.memory_space<vmem>>
      %dma_start3A_206 = arith.constant 0 : i32
      %dma_start3A_207 = arith.constant 0 : i32
      %dma_start3A_208 = tpu.memref_slice %arg2[%dma_start3A_206, %dma_start3A_207] : memref<10000x128xf32, #tpu.memory_space<hbm>> -> memref<10000x128xf32, #tpu.memory_space<hbm>>
      tpu.enqueue_indirect_dma source(%dma_start3A_208 : memref<10000x128xf32, #tpu.memory_space<hbm>>) target(%arg14 : memref<64x128xf32, #tpu.memory_space<vmem>>) offsets(%dma_start3A_205 : memref<64xi32, #tpu.memory_space<vmem>>) semaphore(%arg19 : memref<!tpu.dma_semaphore, #tpu.memory_space<semaphore_mem>>)
      %dma_wait3A_209 = arith.constant 36 : i32
      %dma_wait3A_210 = arith.constant 64 : i32
      %dma_wait3A_211 = tpu.memref_slice %arg12[%dma_wait3A_209, %dma_wait3A_210] : memref<40x128xi32, #tpu.memory_space<vmem>> -> memref<1x64xi32, #tpu.memory_space<vmem>>
      %dma_wait3A_212 = tpu.memref_squeeze %dma_wait3A_211 : memref<1x64xi32, #tpu.memory_space<vmem>> -> memref<64xi32, #tpu.memory_space<vmem>>
      %dma_wait3A_213 = arith.constant 0 : i32
      %dma_wait3A_214 = arith.constant 0 : i32
      %dma_wait3A_215 = tpu.memref_slice %arg2[%dma_wait3A_213, %dma_wait3A_214] : memref<10000x128xf32, #tpu.memory_space<hbm>> -> memref<10000x128xf32, #tpu.memory_space<hbm>>
      tpu.wait_indirect_dma semaphore(%arg20 : memref<!tpu.dma_semaphore, #tpu.memory_space<semaphore_mem>>) src(%dma_wait3A_215 : memref<10000x128xf32, #tpu.memory_space<hbm>>) dst(%arg15 : memref<64x128xf32, #tpu.memory_space<vmem>>)
      %run_scoped3A_216 = arith.constant 36 : i32
      "tpu.region"() ({
        %run_scoped3A_293 = tpu.sem_alloc : memref<!tpu.dma_semaphore, #tpu.memory_space<semaphore_mem>>
        %dma_start3A_294 = arith.constant 64 : i32
        %dma_start3A_295 = tpu.memref_slice %arg13[%run_scoped3A_216, %dma_start3A_294] : memref<40x128xi32, #tpu.memory_space<vmem>> -> memref<1x64xi32, #tpu.memory_space<vmem>>
        %dma_start3A_296 = tpu.memref_squeeze %dma_start3A_295 : memref<1x64xi32, #tpu.memory_space<vmem>> -> memref<64xi32, #tpu.memory_space<vmem>>
        %dma_start3A_297 = arith.constant 0 : i32
        %dma_start3A_298 = arith.constant 0 : i32
        %dma_start3A_299 = tpu.memref_slice %arg10[%dma_start3A_297, %dma_start3A_298] : memref<10240x128xf32, #tpu.memory_space<vmem_shared>> -> memref<10240x128xf32, #tpu.memory_space<vmem_shared>>
        tpu.enqueue_indirect_dma source(%arg15 : memref<64x128xf32, #tpu.memory_space<vmem>>) target(%dma_start3A_299 : memref<10240x128xf32, #tpu.memory_space<vmem_shared>>) offsets(%dma_start3A_296 : memref<64xi32, #tpu.memory_space<vmem>>) semaphore(%run_scoped3A_293 : memref<!tpu.dma_semaphore, #tpu.memory_space<semaphore_mem>>) {add = true}
        %dma_wait3A_300 = arith.constant 64 : i32
        %dma_wait3A_301 = tpu.memref_slice %arg13[%run_scoped3A_216, %dma_wait3A_300] : memref<40x128xi32, #tpu.memory_space<vmem>> -> memref<1x64xi32, #tpu.memory_space<vmem>>
        %dma_wait3A_302 = tpu.memref_squeeze %dma_wait3A_301 : memref<1x64xi32, #tpu.memory_space<vmem>> -> memref<64xi32, #tpu.memory_space<vmem>>
        %dma_wait3A_303 = arith.constant 0 : i32
        %dma_wait3A_304 = arith.constant 0 : i32
        %dma_wait3A_305 = tpu.memref_slice %arg10[%dma_wait3A_303, %dma_wait3A_304] : memref<10240x128xf32, #tpu.memory_space<vmem_shared>> -> memref<10240x128xf32, #tpu.memory_space<vmem_shared>>
        tpu.wait_indirect_dma semaphore(%run_scoped3A_293 : memref<!tpu.dma_semaphore, #tpu.memory_space<semaphore_mem>>) src(%arg15 : memref<64x128xf32, #tpu.memory_space<vmem>>) dst(%dma_wait3A_305 : memref<10240x128xf32, #tpu.memory_space<vmem_shared>>)
        tpu.yield
      }) : () -> ()
      %run_scoped3A_217 = arith.constant 36 : i32
      "tpu.region"() ({
        %run_scoped3A_293 = tpu.sem_alloc : memref<!tpu.dma_semaphore, #tpu.memory_space<semaphore_mem>>
        %dma_start3A_294 = arith.constant 64 : i32
        %dma_start3A_295 = tpu.memref_slice %arg13[%run_scoped3A_217, %dma_start3A_294] : memref<40x128xi32, #tpu.memory_space<vmem>> -> memref<1x64xi32, #tpu.memory_space<vmem>>
        %dma_start3A_296 = tpu.memref_squeeze %dma_start3A_295 : memref<1x64xi32, #tpu.memory_space<vmem>> -> memref<64xi32, #tpu.memory_space<vmem>>
        %dma_start3A_297 = arith.constant 0 : i32
        %dma_start3A_298 = tpu.memref_slice %arg11[%dma_start3A_297] : memref<10240xf32, #tpu.memory_space<vmem_shared>> -> memref<10240xf32, #tpu.memory_space<vmem_shared>>
        tpu.enqueue_indirect_dma source(%arg18 : memref<64xf32, #tpu.memory_space<vmem>>) target(%dma_start3A_298 : memref<10240xf32, #tpu.memory_space<vmem_shared>>) offsets(%dma_start3A_296 : memref<64xi32, #tpu.memory_space<vmem>>) semaphore(%run_scoped3A_293 : memref<!tpu.dma_semaphore, #tpu.memory_space<semaphore_mem>>) {add = true}
        %dma_wait3A_299 = arith.constant 64 : i32
        %dma_wait3A_300 = tpu.memref_slice %arg13[%run_scoped3A_217, %dma_wait3A_299] : memref<40x128xi32, #tpu.memory_space<vmem>> -> memref<1x64xi32, #tpu.memory_space<vmem>>
        %dma_wait3A_301 = tpu.memref_squeeze %dma_wait3A_300 : memref<1x64xi32, #tpu.memory_space<vmem>> -> memref<64xi32, #tpu.memory_space<vmem>>
        %dma_wait3A_302 = arith.constant 0 : i32
        %dma_wait3A_303 = tpu.memref_slice %arg11[%dma_wait3A_302] : memref<10240xf32, #tpu.memory_space<vmem_shared>> -> memref<10240xf32, #tpu.memory_space<vmem_shared>>
        tpu.wait_indirect_dma semaphore(%run_scoped3A_293 : memref<!tpu.dma_semaphore, #tpu.memory_space<semaphore_mem>>) src(%arg18 : memref<64xf32, #tpu.memory_space<vmem>>) dst(%dma_wait3A_303 : memref<10240xf32, #tpu.memory_space<vmem_shared>>)
        tpu.yield
      }) : () -> ()
      %dma_start3A_218 = arith.constant 38 : i32
      %dma_start3A_219 = arith.constant 64 : i32
      %dma_start3A_220 = tpu.memref_slice %arg12[%dma_start3A_218, %dma_start3A_219] : memref<40x128xi32, #tpu.memory_space<vmem>> -> memref<1x64xi32, #tpu.memory_space<vmem>>
      %dma_start3A_221 = tpu.memref_squeeze %dma_start3A_220 : memref<1x64xi32, #tpu.memory_space<vmem>> -> memref<64xi32, #tpu.memory_space<vmem>>
      %dma_start3A_222 = arith.constant 0 : i32
      %dma_start3A_223 = arith.constant 0 : i32
      %dma_start3A_224 = tpu.memref_slice %arg2[%dma_start3A_222, %dma_start3A_223] : memref<10000x128xf32, #tpu.memory_space<hbm>> -> memref<10000x128xf32, #tpu.memory_space<hbm>>
      tpu.enqueue_indirect_dma source(%dma_start3A_224 : memref<10000x128xf32, #tpu.memory_space<hbm>>) target(%arg15 : memref<64x128xf32, #tpu.memory_space<vmem>>) offsets(%dma_start3A_221 : memref<64xi32, #tpu.memory_space<vmem>>) semaphore(%arg20 : memref<!tpu.dma_semaphore, #tpu.memory_space<semaphore_mem>>)
      %dma_wait3A_225 = arith.constant 37 : i32
      %dma_wait3A_226 = arith.constant 0 : i32
      %dma_wait3A_227 = tpu.memref_slice %arg12[%dma_wait3A_225, %dma_wait3A_226] : memref<40x128xi32, #tpu.memory_space<vmem>> -> memref<1x64xi32, #tpu.memory_space<vmem>>
      %dma_wait3A_228 = tpu.memref_squeeze %dma_wait3A_227 : memref<1x64xi32, #tpu.memory_space<vmem>> -> memref<64xi32, #tpu.memory_space<vmem>>
      %dma_wait3A_229 = arith.constant 0 : i32
      %dma_wait3A_230 = arith.constant 0 : i32
      %dma_wait3A_231 = tpu.memref_slice %arg2[%dma_wait3A_229, %dma_wait3A_230] : memref<10000x128xf32, #tpu.memory_space<hbm>> -> memref<10000x128xf32, #tpu.memory_space<hbm>>
      tpu.wait_indirect_dma semaphore(%arg21 : memref<!tpu.dma_semaphore, #tpu.memory_space<semaphore_mem>>) src(%dma_wait3A_231 : memref<10000x128xf32, #tpu.memory_space<hbm>>) dst(%arg16 : memref<64x128xf32, #tpu.memory_space<vmem>>)
      %run_scoped3A_232 = arith.constant 37 : i32
      "tpu.region"() ({
        %run_scoped3A_293 = tpu.sem_alloc : memref<!tpu.dma_semaphore, #tpu.memory_space<semaphore_mem>>
        %dma_start3A_294 = arith.constant 0 : i32
        %dma_start3A_295 = tpu.memref_slice %arg13[%run_scoped3A_232, %dma_start3A_294] : memref<40x128xi32, #tpu.memory_space<vmem>> -> memref<1x64xi32, #tpu.memory_space<vmem>>
        %dma_start3A_296 = tpu.memref_squeeze %dma_start3A_295 : memref<1x64xi32, #tpu.memory_space<vmem>> -> memref<64xi32, #tpu.memory_space<vmem>>
        %dma_start3A_297 = arith.constant 0 : i32
        %dma_start3A_298 = arith.constant 0 : i32
        %dma_start3A_299 = tpu.memref_slice %arg10[%dma_start3A_297, %dma_start3A_298] : memref<10240x128xf32, #tpu.memory_space<vmem_shared>> -> memref<10240x128xf32, #tpu.memory_space<vmem_shared>>
        tpu.enqueue_indirect_dma source(%arg16 : memref<64x128xf32, #tpu.memory_space<vmem>>) target(%dma_start3A_299 : memref<10240x128xf32, #tpu.memory_space<vmem_shared>>) offsets(%dma_start3A_296 : memref<64xi32, #tpu.memory_space<vmem>>) semaphore(%run_scoped3A_293 : memref<!tpu.dma_semaphore, #tpu.memory_space<semaphore_mem>>) {add = true}
        %dma_wait3A_300 = arith.constant 0 : i32
        %dma_wait3A_301 = tpu.memref_slice %arg13[%run_scoped3A_232, %dma_wait3A_300] : memref<40x128xi32, #tpu.memory_space<vmem>> -> memref<1x64xi32, #tpu.memory_space<vmem>>
        %dma_wait3A_302 = tpu.memref_squeeze %dma_wait3A_301 : memref<1x64xi32, #tpu.memory_space<vmem>> -> memref<64xi32, #tpu.memory_space<vmem>>
        %dma_wait3A_303 = arith.constant 0 : i32
        %dma_wait3A_304 = arith.constant 0 : i32
        %dma_wait3A_305 = tpu.memref_slice %arg10[%dma_wait3A_303, %dma_wait3A_304] : memref<10240x128xf32, #tpu.memory_space<vmem_shared>> -> memref<10240x128xf32, #tpu.memory_space<vmem_shared>>
        tpu.wait_indirect_dma semaphore(%run_scoped3A_293 : memref<!tpu.dma_semaphore, #tpu.memory_space<semaphore_mem>>) src(%arg16 : memref<64x128xf32, #tpu.memory_space<vmem>>) dst(%dma_wait3A_305 : memref<10240x128xf32, #tpu.memory_space<vmem_shared>>)
        tpu.yield
      }) : () -> ()
      %run_scoped3A_233 = arith.constant 37 : i32
      "tpu.region"() ({
        %run_scoped3A_293 = tpu.sem_alloc : memref<!tpu.dma_semaphore, #tpu.memory_space<semaphore_mem>>
        %dma_start3A_294 = arith.constant 0 : i32
        %dma_start3A_295 = tpu.memref_slice %arg13[%run_scoped3A_233, %dma_start3A_294] : memref<40x128xi32, #tpu.memory_space<vmem>> -> memref<1x64xi32, #tpu.memory_space<vmem>>
        %dma_start3A_296 = tpu.memref_squeeze %dma_start3A_295 : memref<1x64xi32, #tpu.memory_space<vmem>> -> memref<64xi32, #tpu.memory_space<vmem>>
        %dma_start3A_297 = arith.constant 0 : i32
        %dma_start3A_298 = tpu.memref_slice %arg11[%dma_start3A_297] : memref<10240xf32, #tpu.memory_space<vmem_shared>> -> memref<10240xf32, #tpu.memory_space<vmem_shared>>
        tpu.enqueue_indirect_dma source(%arg18 : memref<64xf32, #tpu.memory_space<vmem>>) target(%dma_start3A_298 : memref<10240xf32, #tpu.memory_space<vmem_shared>>) offsets(%dma_start3A_296 : memref<64xi32, #tpu.memory_space<vmem>>) semaphore(%run_scoped3A_293 : memref<!tpu.dma_semaphore, #tpu.memory_space<semaphore_mem>>) {add = true}
        %dma_wait3A_299 = arith.constant 0 : i32
        %dma_wait3A_300 = tpu.memref_slice %arg13[%run_scoped3A_233, %dma_wait3A_299] : memref<40x128xi32, #tpu.memory_space<vmem>> -> memref<1x64xi32, #tpu.memory_space<vmem>>
        %dma_wait3A_301 = tpu.memref_squeeze %dma_wait3A_300 : memref<1x64xi32, #tpu.memory_space<vmem>> -> memref<64xi32, #tpu.memory_space<vmem>>
        %dma_wait3A_302 = arith.constant 0 : i32
        %dma_wait3A_303 = tpu.memref_slice %arg11[%dma_wait3A_302] : memref<10240xf32, #tpu.memory_space<vmem_shared>> -> memref<10240xf32, #tpu.memory_space<vmem_shared>>
        tpu.wait_indirect_dma semaphore(%run_scoped3A_293 : memref<!tpu.dma_semaphore, #tpu.memory_space<semaphore_mem>>) src(%arg18 : memref<64xf32, #tpu.memory_space<vmem>>) dst(%dma_wait3A_303 : memref<10240xf32, #tpu.memory_space<vmem_shared>>)
        tpu.yield
      }) : () -> ()
      %dma_start3A_234 = arith.constant 39 : i32
      %dma_start3A_235 = arith.constant 0 : i32
      %dma_start3A_236 = tpu.memref_slice %arg12[%dma_start3A_234, %dma_start3A_235] : memref<40x128xi32, #tpu.memory_space<vmem>> -> memref<1x64xi32, #tpu.memory_space<vmem>>
      %dma_start3A_237 = tpu.memref_squeeze %dma_start3A_236 : memref<1x64xi32, #tpu.memory_space<vmem>> -> memref<64xi32, #tpu.memory_space<vmem>>
      %dma_start3A_238 = arith.constant 0 : i32
      %dma_start3A_239 = arith.constant 0 : i32
      %dma_start3A_240 = tpu.memref_slice %arg2[%dma_start3A_238, %dma_start3A_239] : memref<10000x128xf32, #tpu.memory_space<hbm>> -> memref<10000x128xf32, #tpu.memory_space<hbm>>
      tpu.enqueue_indirect_dma source(%dma_start3A_240 : memref<10000x128xf32, #tpu.memory_space<hbm>>) target(%arg16 : memref<64x128xf32, #tpu.memory_space<vmem>>) offsets(%dma_start3A_237 : memref<64xi32, #tpu.memory_space<vmem>>) semaphore(%arg21 : memref<!tpu.dma_semaphore, #tpu.memory_space<semaphore_mem>>)
      %dma_wait3A_241 = arith.constant 37 : i32
      %dma_wait3A_242 = arith.constant 64 : i32
      %dma_wait3A_243 = tpu.memref_slice %arg12[%dma_wait3A_241, %dma_wait3A_242] : memref<40x128xi32, #tpu.memory_space<vmem>> -> memref<1x64xi32, #tpu.memory_space<vmem>>
      %dma_wait3A_244 = tpu.memref_squeeze %dma_wait3A_243 : memref<1x64xi32, #tpu.memory_space<vmem>> -> memref<64xi32, #tpu.memory_space<vmem>>
      %dma_wait3A_245 = arith.constant 0 : i32
      %dma_wait3A_246 = arith.constant 0 : i32
      %dma_wait3A_247 = tpu.memref_slice %arg2[%dma_wait3A_245, %dma_wait3A_246] : memref<10000x128xf32, #tpu.memory_space<hbm>> -> memref<10000x128xf32, #tpu.memory_space<hbm>>
      tpu.wait_indirect_dma semaphore(%arg22 : memref<!tpu.dma_semaphore, #tpu.memory_space<semaphore_mem>>) src(%dma_wait3A_247 : memref<10000x128xf32, #tpu.memory_space<hbm>>) dst(%arg17 : memref<64x128xf32, #tpu.memory_space<vmem>>)
      %run_scoped3A_248 = arith.constant 37 : i32
      "tpu.region"() ({
        %run_scoped3A_293 = tpu.sem_alloc : memref<!tpu.dma_semaphore, #tpu.memory_space<semaphore_mem>>
        %dma_start3A_294 = arith.constant 64 : i32
        %dma_start3A_295 = tpu.memref_slice %arg13[%run_scoped3A_248, %dma_start3A_294] : memref<40x128xi32, #tpu.memory_space<vmem>> -> memref<1x64xi32, #tpu.memory_space<vmem>>
        %dma_start3A_296 = tpu.memref_squeeze %dma_start3A_295 : memref<1x64xi32, #tpu.memory_space<vmem>> -> memref<64xi32, #tpu.memory_space<vmem>>
        %dma_start3A_297 = arith.constant 0 : i32
        %dma_start3A_298 = arith.constant 0 : i32
        %dma_start3A_299 = tpu.memref_slice %arg10[%dma_start3A_297, %dma_start3A_298] : memref<10240x128xf32, #tpu.memory_space<vmem_shared>> -> memref<10240x128xf32, #tpu.memory_space<vmem_shared>>
        tpu.enqueue_indirect_dma source(%arg17 : memref<64x128xf32, #tpu.memory_space<vmem>>) target(%dma_start3A_299 : memref<10240x128xf32, #tpu.memory_space<vmem_shared>>) offsets(%dma_start3A_296 : memref<64xi32, #tpu.memory_space<vmem>>) semaphore(%run_scoped3A_293 : memref<!tpu.dma_semaphore, #tpu.memory_space<semaphore_mem>>) {add = true}
        %dma_wait3A_300 = arith.constant 64 : i32
        %dma_wait3A_301 = tpu.memref_slice %arg13[%run_scoped3A_248, %dma_wait3A_300] : memref<40x128xi32, #tpu.memory_space<vmem>> -> memref<1x64xi32, #tpu.memory_space<vmem>>
        %dma_wait3A_302 = tpu.memref_squeeze %dma_wait3A_301 : memref<1x64xi32, #tpu.memory_space<vmem>> -> memref<64xi32, #tpu.memory_space<vmem>>
        %dma_wait3A_303 = arith.constant 0 : i32
        %dma_wait3A_304 = arith.constant 0 : i32
        %dma_wait3A_305 = tpu.memref_slice %arg10[%dma_wait3A_303, %dma_wait3A_304] : memref<10240x128xf32, #tpu.memory_space<vmem_shared>> -> memref<10240x128xf32, #tpu.memory_space<vmem_shared>>
        tpu.wait_indirect_dma semaphore(%run_scoped3A_293 : memref<!tpu.dma_semaphore, #tpu.memory_space<semaphore_mem>>) src(%arg17 : memref<64x128xf32, #tpu.memory_space<vmem>>) dst(%dma_wait3A_305 : memref<10240x128xf32, #tpu.memory_space<vmem_shared>>)
        tpu.yield
      }) : () -> ()
      %run_scoped3A_249 = arith.constant 37 : i32
      "tpu.region"() ({
        %run_scoped3A_293 = tpu.sem_alloc : memref<!tpu.dma_semaphore, #tpu.memory_space<semaphore_mem>>
        %dma_start3A_294 = arith.constant 64 : i32
        %dma_start3A_295 = tpu.memref_slice %arg13[%run_scoped3A_249, %dma_start3A_294] : memref<40x128xi32, #tpu.memory_space<vmem>> -> memref<1x64xi32, #tpu.memory_space<vmem>>
        %dma_start3A_296 = tpu.memref_squeeze %dma_start3A_295 : memref<1x64xi32, #tpu.memory_space<vmem>> -> memref<64xi32, #tpu.memory_space<vmem>>
        %dma_start3A_297 = arith.constant 0 : i32
        %dma_start3A_298 = tpu.memref_slice %arg11[%dma_start3A_297] : memref<10240xf32, #tpu.memory_space<vmem_shared>> -> memref<10240xf32, #tpu.memory_space<vmem_shared>>
        tpu.enqueue_indirect_dma source(%arg18 : memref<64xf32, #tpu.memory_space<vmem>>) target(%dma_start3A_298 : memref<10240xf32, #tpu.memory_space<vmem_shared>>) offsets(%dma_start3A_296 : memref<64xi32, #tpu.memory_space<vmem>>) semaphore(%run_scoped3A_293 : memref<!tpu.dma_semaphore, #tpu.memory_space<semaphore_mem>>) {add = true}
        %dma_wait3A_299 = arith.constant 64 : i32
        %dma_wait3A_300 = tpu.memref_slice %arg13[%run_scoped3A_249, %dma_wait3A_299] : memref<40x128xi32, #tpu.memory_space<vmem>> -> memref<1x64xi32, #tpu.memory_space<vmem>>
        %dma_wait3A_301 = tpu.memref_squeeze %dma_wait3A_300 : memref<1x64xi32, #tpu.memory_space<vmem>> -> memref<64xi32, #tpu.memory_space<vmem>>
        %dma_wait3A_302 = arith.constant 0 : i32
        %dma_wait3A_303 = tpu.memref_slice %arg11[%dma_wait3A_302] : memref<10240xf32, #tpu.memory_space<vmem_shared>> -> memref<10240xf32, #tpu.memory_space<vmem_shared>>
        tpu.wait_indirect_dma semaphore(%run_scoped3A_293 : memref<!tpu.dma_semaphore, #tpu.memory_space<semaphore_mem>>) src(%arg18 : memref<64xf32, #tpu.memory_space<vmem>>) dst(%dma_wait3A_303 : memref<10240xf32, #tpu.memory_space<vmem_shared>>)
        tpu.yield
      }) : () -> ()
      %dma_start3A_250 = arith.constant 39 : i32
      %dma_start3A_251 = arith.constant 64 : i32
      %dma_start3A_252 = tpu.memref_slice %arg12[%dma_start3A_250, %dma_start3A_251] : memref<40x128xi32, #tpu.memory_space<vmem>> -> memref<1x64xi32, #tpu.memory_space<vmem>>
      %dma_start3A_253 = tpu.memref_squeeze %dma_start3A_252 : memref<1x64xi32, #tpu.memory_space<vmem>> -> memref<64xi32, #tpu.memory_space<vmem>>
      %dma_start3A_254 = arith.constant 0 : i32
      %dma_start3A_255 = arith.constant 0 : i32
      %dma_start3A_256 = tpu.memref_slice %arg2[%dma_start3A_254, %dma_start3A_255] : memref<10000x128xf32, #tpu.memory_space<hbm>> -> memref<10000x128xf32, #tpu.memory_space<hbm>>
      tpu.enqueue_indirect_dma source(%dma_start3A_256 : memref<10000x128xf32, #tpu.memory_space<hbm>>) target(%arg17 : memref<64x128xf32, #tpu.memory_space<vmem>>) offsets(%dma_start3A_253 : memref<64xi32, #tpu.memory_space<vmem>>) semaphore(%arg22 : memref<!tpu.dma_semaphore, #tpu.memory_space<semaphore_mem>>)
      %dma_wait3A_257 = arith.constant 38 : i32
      %dma_wait3A_258 = arith.constant 0 : i32
      %dma_wait3A_259 = tpu.memref_slice %arg12[%dma_wait3A_257, %dma_wait3A_258] : memref<40x128xi32, #tpu.memory_space<vmem>> -> memref<1x64xi32, #tpu.memory_space<vmem>>
      %dma_wait3A_260 = tpu.memref_squeeze %dma_wait3A_259 : memref<1x64xi32, #tpu.memory_space<vmem>> -> memref<64xi32, #tpu.memory_space<vmem>>
      %dma_wait3A_261 = arith.constant 0 : i32
      %dma_wait3A_262 = arith.constant 0 : i32
      %dma_wait3A_263 = tpu.memref_slice %arg2[%dma_wait3A_261, %dma_wait3A_262] : memref<10000x128xf32, #tpu.memory_space<hbm>> -> memref<10000x128xf32, #tpu.memory_space<hbm>>
      tpu.wait_indirect_dma semaphore(%arg19 : memref<!tpu.dma_semaphore, #tpu.memory_space<semaphore_mem>>) src(%dma_wait3A_263 : memref<10000x128xf32, #tpu.memory_space<hbm>>) dst(%arg14 : memref<64x128xf32, #tpu.memory_space<vmem>>)
      %run_scoped3A_264 = arith.constant 38 : i32
      "tpu.region"() ({
        %run_scoped3A_293 = tpu.sem_alloc : memref<!tpu.dma_semaphore, #tpu.memory_space<semaphore_mem>>
        %dma_start3A_294 = arith.constant 0 : i32
        %dma_start3A_295 = tpu.memref_slice %arg13[%run_scoped3A_264, %dma_start3A_294] : memref<40x128xi32, #tpu.memory_space<vmem>> -> memref<1x64xi32, #tpu.memory_space<vmem>>
        %dma_start3A_296 = tpu.memref_squeeze %dma_start3A_295 : memref<1x64xi32, #tpu.memory_space<vmem>> -> memref<64xi32, #tpu.memory_space<vmem>>
        %dma_start3A_297 = arith.constant 0 : i32
        %dma_start3A_298 = arith.constant 0 : i32
        %dma_start3A_299 = tpu.memref_slice %arg10[%dma_start3A_297, %dma_start3A_298] : memref<10240x128xf32, #tpu.memory_space<vmem_shared>> -> memref<10240x128xf32, #tpu.memory_space<vmem_shared>>
        tpu.enqueue_indirect_dma source(%arg14 : memref<64x128xf32, #tpu.memory_space<vmem>>) target(%dma_start3A_299 : memref<10240x128xf32, #tpu.memory_space<vmem_shared>>) offsets(%dma_start3A_296 : memref<64xi32, #tpu.memory_space<vmem>>) semaphore(%run_scoped3A_293 : memref<!tpu.dma_semaphore, #tpu.memory_space<semaphore_mem>>) {add = true}
        %dma_wait3A_300 = arith.constant 0 : i32
        %dma_wait3A_301 = tpu.memref_slice %arg13[%run_scoped3A_264, %dma_wait3A_300] : memref<40x128xi32, #tpu.memory_space<vmem>> -> memref<1x64xi32, #tpu.memory_space<vmem>>
        %dma_wait3A_302 = tpu.memref_squeeze %dma_wait3A_301 : memref<1x64xi32, #tpu.memory_space<vmem>> -> memref<64xi32, #tpu.memory_space<vmem>>
        %dma_wait3A_303 = arith.constant 0 : i32
        %dma_wait3A_304 = arith.constant 0 : i32
        %dma_wait3A_305 = tpu.memref_slice %arg10[%dma_wait3A_303, %dma_wait3A_304] : memref<10240x128xf32, #tpu.memory_space<vmem_shared>> -> memref<10240x128xf32, #tpu.memory_space<vmem_shared>>
        tpu.wait_indirect_dma semaphore(%run_scoped3A_293 : memref<!tpu.dma_semaphore, #tpu.memory_space<semaphore_mem>>) src(%arg14 : memref<64x128xf32, #tpu.memory_space<vmem>>) dst(%dma_wait3A_305 : memref<10240x128xf32, #tpu.memory_space<vmem_shared>>)
        tpu.yield
      }) : () -> ()
      %run_scoped3A_265 = arith.constant 38 : i32
      "tpu.region"() ({
        %run_scoped3A_293 = tpu.sem_alloc : memref<!tpu.dma_semaphore, #tpu.memory_space<semaphore_mem>>
        %dma_start3A_294 = arith.constant 0 : i32
        %dma_start3A_295 = tpu.memref_slice %arg13[%run_scoped3A_265, %dma_start3A_294] : memref<40x128xi32, #tpu.memory_space<vmem>> -> memref<1x64xi32, #tpu.memory_space<vmem>>
        %dma_start3A_296 = tpu.memref_squeeze %dma_start3A_295 : memref<1x64xi32, #tpu.memory_space<vmem>> -> memref<64xi32, #tpu.memory_space<vmem>>
        %dma_start3A_297 = arith.constant 0 : i32
        %dma_start3A_298 = tpu.memref_slice %arg11[%dma_start3A_297] : memref<10240xf32, #tpu.memory_space<vmem_shared>> -> memref<10240xf32, #tpu.memory_space<vmem_shared>>
        tpu.enqueue_indirect_dma source(%arg18 : memref<64xf32, #tpu.memory_space<vmem>>) target(%dma_start3A_298 : memref<10240xf32, #tpu.memory_space<vmem_shared>>) offsets(%dma_start3A_296 : memref<64xi32, #tpu.memory_space<vmem>>) semaphore(%run_scoped3A_293 : memref<!tpu.dma_semaphore, #tpu.memory_space<semaphore_mem>>) {add = true}
        %dma_wait3A_299 = arith.constant 0 : i32
        %dma_wait3A_300 = tpu.memref_slice %arg13[%run_scoped3A_265, %dma_wait3A_299] : memref<40x128xi32, #tpu.memory_space<vmem>> -> memref<1x64xi32, #tpu.memory_space<vmem>>
        %dma_wait3A_301 = tpu.memref_squeeze %dma_wait3A_300 : memref<1x64xi32, #tpu.memory_space<vmem>> -> memref<64xi32, #tpu.memory_space<vmem>>
        %dma_wait3A_302 = arith.constant 0 : i32
        %dma_wait3A_303 = tpu.memref_slice %arg11[%dma_wait3A_302] : memref<10240xf32, #tpu.memory_space<vmem_shared>> -> memref<10240xf32, #tpu.memory_space<vmem_shared>>
        tpu.wait_indirect_dma semaphore(%run_scoped3A_293 : memref<!tpu.dma_semaphore, #tpu.memory_space<semaphore_mem>>) src(%arg18 : memref<64xf32, #tpu.memory_space<vmem>>) dst(%dma_wait3A_303 : memref<10240xf32, #tpu.memory_space<vmem_shared>>)
        tpu.yield
      }) : () -> ()
      %dma_wait3A_266 = arith.constant 38 : i32
      %dma_wait3A_267 = arith.constant 64 : i32
      %dma_wait3A_268 = tpu.memref_slice %arg12[%dma_wait3A_266, %dma_wait3A_267] : memref<40x128xi32, #tpu.memory_space<vmem>> -> memref<1x64xi32, #tpu.memory_space<vmem>>
      %dma_wait3A_269 = tpu.memref_squeeze %dma_wait3A_268 : memref<1x64xi32, #tpu.memory_space<vmem>> -> memref<64xi32, #tpu.memory_space<vmem>>
      %dma_wait3A_270 = arith.constant 0 : i32
      %dma_wait3A_271 = arith.constant 0 : i32
      %dma_wait3A_272 = tpu.memref_slice %arg2[%dma_wait3A_270, %dma_wait3A_271] : memref<10000x128xf32, #tpu.memory_space<hbm>> -> memref<10000x128xf32, #tpu.memory_space<hbm>>
      tpu.wait_indirect_dma semaphore(%arg20 : memref<!tpu.dma_semaphore, #tpu.memory_space<semaphore_mem>>) src(%dma_wait3A_272 : memref<10000x128xf32, #tpu.memory_space<hbm>>) dst(%arg15 : memref<64x128xf32, #tpu.memory_space<vmem>>)
      %run_scoped3A_273 = arith.constant 38 : i32
      "tpu.region"() ({
        %run_scoped3A_293 = tpu.sem_alloc : memref<!tpu.dma_semaphore, #tpu.memory_space<semaphore_mem>>
        %dma_start3A_294 = arith.constant 64 : i32
        %dma_start3A_295 = tpu.memref_slice %arg13[%run_scoped3A_273, %dma_start3A_294] : memref<40x128xi32, #tpu.memory_space<vmem>> -> memref<1x64xi32, #tpu.memory_space<vmem>>
        %dma_start3A_296 = tpu.memref_squeeze %dma_start3A_295 : memref<1x64xi32, #tpu.memory_space<vmem>> -> memref<64xi32, #tpu.memory_space<vmem>>
        %dma_start3A_297 = arith.constant 0 : i32
        %dma_start3A_298 = arith.constant 0 : i32
        %dma_start3A_299 = tpu.memref_slice %arg10[%dma_start3A_297, %dma_start3A_298] : memref<10240x128xf32, #tpu.memory_space<vmem_shared>> -> memref<10240x128xf32, #tpu.memory_space<vmem_shared>>
        tpu.enqueue_indirect_dma source(%arg15 : memref<64x128xf32, #tpu.memory_space<vmem>>) target(%dma_start3A_299 : memref<10240x128xf32, #tpu.memory_space<vmem_shared>>) offsets(%dma_start3A_296 : memref<64xi32, #tpu.memory_space<vmem>>) semaphore(%run_scoped3A_293 : memref<!tpu.dma_semaphore, #tpu.memory_space<semaphore_mem>>) {add = true}
        %dma_wait3A_300 = arith.constant 64 : i32
        %dma_wait3A_301 = tpu.memref_slice %arg13[%run_scoped3A_273, %dma_wait3A_300] : memref<40x128xi32, #tpu.memory_space<vmem>> -> memref<1x64xi32, #tpu.memory_space<vmem>>
        %dma_wait3A_302 = tpu.memref_squeeze %dma_wait3A_301 : memref<1x64xi32, #tpu.memory_space<vmem>> -> memref<64xi32, #tpu.memory_space<vmem>>
        %dma_wait3A_303 = arith.constant 0 : i32
        %dma_wait3A_304 = arith.constant 0 : i32
        %dma_wait3A_305 = tpu.memref_slice %arg10[%dma_wait3A_303, %dma_wait3A_304] : memref<10240x128xf32, #tpu.memory_space<vmem_shared>> -> memref<10240x128xf32, #tpu.memory_space<vmem_shared>>
        tpu.wait_indirect_dma semaphore(%run_scoped3A_293 : memref<!tpu.dma_semaphore, #tpu.memory_space<semaphore_mem>>) src(%arg15 : memref<64x128xf32, #tpu.memory_space<vmem>>) dst(%dma_wait3A_305 : memref<10240x128xf32, #tpu.memory_space<vmem_shared>>)
        tpu.yield
      }) : () -> ()
      %run_scoped3A_274 = arith.constant 38 : i32
      "tpu.region"() ({
        %run_scoped3A_293 = tpu.sem_alloc : memref<!tpu.dma_semaphore, #tpu.memory_space<semaphore_mem>>
        %dma_start3A_294 = arith.constant 64 : i32
        %dma_start3A_295 = tpu.memref_slice %arg13[%run_scoped3A_274, %dma_start3A_294] : memref<40x128xi32, #tpu.memory_space<vmem>> -> memref<1x64xi32, #tpu.memory_space<vmem>>
        %dma_start3A_296 = tpu.memref_squeeze %dma_start3A_295 : memref<1x64xi32, #tpu.memory_space<vmem>> -> memref<64xi32, #tpu.memory_space<vmem>>
        %dma_start3A_297 = arith.constant 0 : i32
        %dma_start3A_298 = tpu.memref_slice %arg11[%dma_start3A_297] : memref<10240xf32, #tpu.memory_space<vmem_shared>> -> memref<10240xf32, #tpu.memory_space<vmem_shared>>
        tpu.enqueue_indirect_dma source(%arg18 : memref<64xf32, #tpu.memory_space<vmem>>) target(%dma_start3A_298 : memref<10240xf32, #tpu.memory_space<vmem_shared>>) offsets(%dma_start3A_296 : memref<64xi32, #tpu.memory_space<vmem>>) semaphore(%run_scoped3A_293 : memref<!tpu.dma_semaphore, #tpu.memory_space<semaphore_mem>>) {add = true}
        %dma_wait3A_299 = arith.constant 64 : i32
        %dma_wait3A_300 = tpu.memref_slice %arg13[%run_scoped3A_274, %dma_wait3A_299] : memref<40x128xi32, #tpu.memory_space<vmem>> -> memref<1x64xi32, #tpu.memory_space<vmem>>
        %dma_wait3A_301 = tpu.memref_squeeze %dma_wait3A_300 : memref<1x64xi32, #tpu.memory_space<vmem>> -> memref<64xi32, #tpu.memory_space<vmem>>
        %dma_wait3A_302 = arith.constant 0 : i32
        %dma_wait3A_303 = tpu.memref_slice %arg11[%dma_wait3A_302] : memref<10240xf32, #tpu.memory_space<vmem_shared>> -> memref<10240xf32, #tpu.memory_space<vmem_shared>>
        tpu.wait_indirect_dma semaphore(%run_scoped3A_293 : memref<!tpu.dma_semaphore, #tpu.memory_space<semaphore_mem>>) src(%arg18 : memref<64xf32, #tpu.memory_space<vmem>>) dst(%dma_wait3A_303 : memref<10240xf32, #tpu.memory_space<vmem_shared>>)
        tpu.yield
      }) : () -> ()
      %dma_wait3A_275 = arith.constant 39 : i32
      %dma_wait3A_276 = arith.constant 0 : i32
      %dma_wait3A_277 = tpu.memref_slice %arg12[%dma_wait3A_275, %dma_wait3A_276] : memref<40x128xi32, #tpu.memory_space<vmem>> -> memref<1x64xi32, #tpu.memory_space<vmem>>
      %dma_wait3A_278 = tpu.memref_squeeze %dma_wait3A_277 : memref<1x64xi32, #tpu.memory_space<vmem>> -> memref<64xi32, #tpu.memory_space<vmem>>
      %dma_wait3A_279 = arith.constant 0 : i32
      %dma_wait3A_280 = arith.constant 0 : i32
      %dma_wait3A_281 = tpu.memref_slice %arg2[%dma_wait3A_279, %dma_wait3A_280] : memref<10000x128xf32, #tpu.memory_space<hbm>> -> memref<10000x128xf32, #tpu.memory_space<hbm>>
      tpu.wait_indirect_dma semaphore(%arg21 : memref<!tpu.dma_semaphore, #tpu.memory_space<semaphore_mem>>) src(%dma_wait3A_281 : memref<10000x128xf32, #tpu.memory_space<hbm>>) dst(%arg16 : memref<64x128xf32, #tpu.memory_space<vmem>>)
      %run_scoped3A_282 = arith.constant 39 : i32
      "tpu.region"() ({
        %run_scoped3A_293 = tpu.sem_alloc : memref<!tpu.dma_semaphore, #tpu.memory_space<semaphore_mem>>
        %dma_start3A_294 = arith.constant 0 : i32
        %dma_start3A_295 = tpu.memref_slice %arg13[%run_scoped3A_282, %dma_start3A_294] : memref<40x128xi32, #tpu.memory_space<vmem>> -> memref<1x64xi32, #tpu.memory_space<vmem>>
        %dma_start3A_296 = tpu.memref_squeeze %dma_start3A_295 : memref<1x64xi32, #tpu.memory_space<vmem>> -> memref<64xi32, #tpu.memory_space<vmem>>
        %dma_start3A_297 = arith.constant 0 : i32
        %dma_start3A_298 = arith.constant 0 : i32
        %dma_start3A_299 = tpu.memref_slice %arg10[%dma_start3A_297, %dma_start3A_298] : memref<10240x128xf32, #tpu.memory_space<vmem_shared>> -> memref<10240x128xf32, #tpu.memory_space<vmem_shared>>
        tpu.enqueue_indirect_dma source(%arg16 : memref<64x128xf32, #tpu.memory_space<vmem>>) target(%dma_start3A_299 : memref<10240x128xf32, #tpu.memory_space<vmem_shared>>) offsets(%dma_start3A_296 : memref<64xi32, #tpu.memory_space<vmem>>) semaphore(%run_scoped3A_293 : memref<!tpu.dma_semaphore, #tpu.memory_space<semaphore_mem>>) {add = true}
        %dma_wait3A_300 = arith.constant 0 : i32
        %dma_wait3A_301 = tpu.memref_slice %arg13[%run_scoped3A_282, %dma_wait3A_300] : memref<40x128xi32, #tpu.memory_space<vmem>> -> memref<1x64xi32, #tpu.memory_space<vmem>>
        %dma_wait3A_302 = tpu.memref_squeeze %dma_wait3A_301 : memref<1x64xi32, #tpu.memory_space<vmem>> -> memref<64xi32, #tpu.memory_space<vmem>>
        %dma_wait3A_303 = arith.constant 0 : i32
        %dma_wait3A_304 = arith.constant 0 : i32
        %dma_wait3A_305 = tpu.memref_slice %arg10[%dma_wait3A_303, %dma_wait3A_304] : memref<10240x128xf32, #tpu.memory_space<vmem_shared>> -> memref<10240x128xf32, #tpu.memory_space<vmem_shared>>
        tpu.wait_indirect_dma semaphore(%run_scoped3A_293 : memref<!tpu.dma_semaphore, #tpu.memory_space<semaphore_mem>>) src(%arg16 : memref<64x128xf32, #tpu.memory_space<vmem>>) dst(%dma_wait3A_305 : memref<10240x128xf32, #tpu.memory_space<vmem_shared>>)
        tpu.yield
      }) : () -> ()
      %run_scoped3A_283 = arith.constant 39 : i32
      "tpu.region"() ({
        %run_scoped3A_293 = tpu.sem_alloc : memref<!tpu.dma_semaphore, #tpu.memory_space<semaphore_mem>>
        %dma_start3A_294 = arith.constant 0 : i32
        %dma_start3A_295 = tpu.memref_slice %arg13[%run_scoped3A_283, %dma_start3A_294] : memref<40x128xi32, #tpu.memory_space<vmem>> -> memref<1x64xi32, #tpu.memory_space<vmem>>
        %dma_start3A_296 = tpu.memref_squeeze %dma_start3A_295 : memref<1x64xi32, #tpu.memory_space<vmem>> -> memref<64xi32, #tpu.memory_space<vmem>>
        %dma_start3A_297 = arith.constant 0 : i32
        %dma_start3A_298 = tpu.memref_slice %arg11[%dma_start3A_297] : memref<10240xf32, #tpu.memory_space<vmem_shared>> -> memref<10240xf32, #tpu.memory_space<vmem_shared>>
        tpu.enqueue_indirect_dma source(%arg18 : memref<64xf32, #tpu.memory_space<vmem>>) target(%dma_start3A_298 : memref<10240xf32, #tpu.memory_space<vmem_shared>>) offsets(%dma_start3A_296 : memref<64xi32, #tpu.memory_space<vmem>>) semaphore(%run_scoped3A_293 : memref<!tpu.dma_semaphore, #tpu.memory_space<semaphore_mem>>) {add = true}
        %dma_wait3A_299 = arith.constant 0 : i32
        %dma_wait3A_300 = tpu.memref_slice %arg13[%run_scoped3A_283, %dma_wait3A_299] : memref<40x128xi32, #tpu.memory_space<vmem>> -> memref<1x64xi32, #tpu.memory_space<vmem>>
        %dma_wait3A_301 = tpu.memref_squeeze %dma_wait3A_300 : memref<1x64xi32, #tpu.memory_space<vmem>> -> memref<64xi32, #tpu.memory_space<vmem>>
        %dma_wait3A_302 = arith.constant 0 : i32
        %dma_wait3A_303 = tpu.memref_slice %arg11[%dma_wait3A_302] : memref<10240xf32, #tpu.memory_space<vmem_shared>> -> memref<10240xf32, #tpu.memory_space<vmem_shared>>
        tpu.wait_indirect_dma semaphore(%run_scoped3A_293 : memref<!tpu.dma_semaphore, #tpu.memory_space<semaphore_mem>>) src(%arg18 : memref<64xf32, #tpu.memory_space<vmem>>) dst(%dma_wait3A_303 : memref<10240xf32, #tpu.memory_space<vmem_shared>>)
        tpu.yield
      }) : () -> ()
      %dma_wait3A_284 = arith.constant 39 : i32
      %dma_wait3A_285 = arith.constant 64 : i32
      %dma_wait3A_286 = tpu.memref_slice %arg12[%dma_wait3A_284, %dma_wait3A_285] : memref<40x128xi32, #tpu.memory_space<vmem>> -> memref<1x64xi32, #tpu.memory_space<vmem>>
      %dma_wait3A_287 = tpu.memref_squeeze %dma_wait3A_286 : memref<1x64xi32, #tpu.memory_space<vmem>> -> memref<64xi32, #tpu.memory_space<vmem>>
      %dma_wait3A_288 = arith.constant 0 : i32
      %dma_wait3A_289 = arith.constant 0 : i32
      %dma_wait3A_290 = tpu.memref_slice %arg2[%dma_wait3A_288, %dma_wait3A_289] : memref<10000x128xf32, #tpu.memory_space<hbm>> -> memref<10000x128xf32, #tpu.memory_space<hbm>>
      tpu.wait_indirect_dma semaphore(%arg22 : memref<!tpu.dma_semaphore, #tpu.memory_space<semaphore_mem>>) src(%dma_wait3A_290 : memref<10000x128xf32, #tpu.memory_space<hbm>>) dst(%arg17 : memref<64x128xf32, #tpu.memory_space<vmem>>)
      %run_scoped3A_291 = arith.constant 39 : i32
      "tpu.region"() ({
        %run_scoped3A_293 = tpu.sem_alloc : memref<!tpu.dma_semaphore, #tpu.memory_space<semaphore_mem>>
        %dma_start3A_294 = arith.constant 64 : i32
        %dma_start3A_295 = tpu.memref_slice %arg13[%run_scoped3A_291, %dma_start3A_294] : memref<40x128xi32, #tpu.memory_space<vmem>> -> memref<1x64xi32, #tpu.memory_space<vmem>>
        %dma_start3A_296 = tpu.memref_squeeze %dma_start3A_295 : memref<1x64xi32, #tpu.memory_space<vmem>> -> memref<64xi32, #tpu.memory_space<vmem>>
        %dma_start3A_297 = arith.constant 0 : i32
        %dma_start3A_298 = arith.constant 0 : i32
        %dma_start3A_299 = tpu.memref_slice %arg10[%dma_start3A_297, %dma_start3A_298] : memref<10240x128xf32, #tpu.memory_space<vmem_shared>> -> memref<10240x128xf32, #tpu.memory_space<vmem_shared>>
        tpu.enqueue_indirect_dma source(%arg17 : memref<64x128xf32, #tpu.memory_space<vmem>>) target(%dma_start3A_299 : memref<10240x128xf32, #tpu.memory_space<vmem_shared>>) offsets(%dma_start3A_296 : memref<64xi32, #tpu.memory_space<vmem>>) semaphore(%run_scoped3A_293 : memref<!tpu.dma_semaphore, #tpu.memory_space<semaphore_mem>>) {add = true}
        %dma_wait3A_300 = arith.constant 64 : i32
        %dma_wait3A_301 = tpu.memref_slice %arg13[%run_scoped3A_291, %dma_wait3A_300] : memref<40x128xi32, #tpu.memory_space<vmem>> -> memref<1x64xi32, #tpu.memory_space<vmem>>
        %dma_wait3A_302 = tpu.memref_squeeze %dma_wait3A_301 : memref<1x64xi32, #tpu.memory_space<vmem>> -> memref<64xi32, #tpu.memory_space<vmem>>
        %dma_wait3A_303 = arith.constant 0 : i32
        %dma_wait3A_304 = arith.constant 0 : i32
        %dma_wait3A_305 = tpu.memref_slice %arg10[%dma_wait3A_303, %dma_wait3A_304] : memref<10240x128xf32, #tpu.memory_space<vmem_shared>> -> memref<10240x128xf32, #tpu.memory_space<vmem_shared>>
        tpu.wait_indirect_dma semaphore(%run_scoped3A_293 : memref<!tpu.dma_semaphore, #tpu.memory_space<semaphore_mem>>) src(%arg17 : memref<64x128xf32, #tpu.memory_space<vmem>>) dst(%dma_wait3A_305 : memref<10240x128xf32, #tpu.memory_space<vmem_shared>>)
        tpu.yield
      }) : () -> ()
      %run_scoped3A_292 = arith.constant 39 : i32
      "tpu.region"() ({
        %run_scoped3A_293 = tpu.sem_alloc : memref<!tpu.dma_semaphore, #tpu.memory_space<semaphore_mem>>
        %dma_start3A_294 = arith.constant 64 : i32
        %dma_start3A_295 = tpu.memref_slice %arg13[%run_scoped3A_292, %dma_start3A_294] : memref<40x128xi32, #tpu.memory_space<vmem>> -> memref<1x64xi32, #tpu.memory_space<vmem>>
        %dma_start3A_296 = tpu.memref_squeeze %dma_start3A_295 : memref<1x64xi32, #tpu.memory_space<vmem>> -> memref<64xi32, #tpu.memory_space<vmem>>
        %dma_start3A_297 = arith.constant 0 : i32
        %dma_start3A_298 = tpu.memref_slice %arg11[%dma_start3A_297] : memref<10240xf32, #tpu.memory_space<vmem_shared>> -> memref<10240xf32, #tpu.memory_space<vmem_shared>>
        tpu.enqueue_indirect_dma source(%arg18 : memref<64xf32, #tpu.memory_space<vmem>>) target(%dma_start3A_298 : memref<10240xf32, #tpu.memory_space<vmem_shared>>) offsets(%dma_start3A_296 : memref<64xi32, #tpu.memory_space<vmem>>) semaphore(%run_scoped3A_293 : memref<!tpu.dma_semaphore, #tpu.memory_space<semaphore_mem>>) {add = true}
        %dma_wait3A_299 = arith.constant 64 : i32
        %dma_wait3A_300 = tpu.memref_slice %arg13[%run_scoped3A_292, %dma_wait3A_299] : memref<40x128xi32, #tpu.memory_space<vmem>> -> memref<1x64xi32, #tpu.memory_space<vmem>>
        %dma_wait3A_301 = tpu.memref_squeeze %dma_wait3A_300 : memref<1x64xi32, #tpu.memory_space<vmem>> -> memref<64xi32, #tpu.memory_space<vmem>>
        %dma_wait3A_302 = arith.constant 0 : i32
        %dma_wait3A_303 = tpu.memref_slice %arg11[%dma_wait3A_302] : memref<10240xf32, #tpu.memory_space<vmem_shared>> -> memref<10240xf32, #tpu.memory_space<vmem_shared>>
        tpu.wait_indirect_dma semaphore(%run_scoped3A_293 : memref<!tpu.dma_semaphore, #tpu.memory_space<semaphore_mem>>) src(%arg18 : memref<64xf32, #tpu.memory_space<vmem>>) dst(%dma_wait3A_303 : memref<10240xf32, #tpu.memory_space<vmem_shared>>)
        tpu.yield
      }) : () -> ()
    }
    %scan3A_47 = arith.constant 2 : i32
    %barrier3A_48 = arith.constant 0 : index
    tpu.barrier barrier_id(%barrier3A_48)
    %mul3A_49 = arith.constant 640 : i32
    %mul3A_50 = arith.muli %arg1, %mul3A_49 : i32
    %mul3A_51 = arith.constant 10240 : i32
    %mul3A_52 = arith.muli %arg0, %mul3A_51 : i32
    %mul3A_53 = arith.constant 640 : i32
    %mul3A_54 = arith.muli %arg1, %mul3A_53 : i32
    %add3A_55 = arith.addi %mul3A_52, %mul3A_54 : i32
    %mul3A_56 = arith.constant 640 : i32
    %mul3A_57 = arith.muli %arg1, %mul3A_56 : i32
    %add3A_58 = arith.constant 0 : i32
    %add3A_59 = arith.addi %mul3A_57, %add3A_58 : i32
    %mul3A_60 = arith.constant 10240 : i32
    %mul3A_61 = arith.muli %arg0, %mul3A_60 : i32
    %mul3A_62 = arith.constant 640 : i32
    %mul3A_63 = arith.muli %arg1, %mul3A_62 : i32
    %add3A_64 = arith.addi %mul3A_61, %mul3A_63 : i32
    %add3A_65 = arith.constant 0 : i32
    %add3A_66 = arith.addi %add3A_64, %add3A_65 : i32
    %mul3A_67 = arith.constant 640 : i32
    %mul3A_68 = arith.muli %arg1, %mul3A_67 : i32
    %add3A_69 = arith.constant 128 : i32
    %add3A_70 = arith.addi %mul3A_68, %add3A_69 : i32
    %mul3A_71 = arith.constant 10240 : i32
    %mul3A_72 = arith.muli %arg0, %mul3A_71 : i32
    %mul3A_73 = arith.constant 640 : i32
    %mul3A_74 = arith.muli %arg1, %mul3A_73 : i32
    %add3A_75 = arith.addi %mul3A_72, %mul3A_74 : i32
    %add3A_76 = arith.constant 128 : i32
    %add3A_77 = arith.addi %add3A_75, %add3A_76 : i32
    %mul3A_78 = arith.constant 640 : i32
    %mul3A_79 = arith.muli %arg1, %mul3A_78 : i32
    %add3A_80 = arith.constant 256 : i32
    %add3A_81 = arith.addi %mul3A_79, %add3A_80 : i32
    %mul3A_82 = arith.constant 10240 : i32
    %mul3A_83 = arith.muli %arg0, %mul3A_82 : i32
    %mul3A_84 = arith.constant 640 : i32
    %mul3A_85 = arith.muli %arg1, %mul3A_84 : i32
    %add3A_86 = arith.addi %mul3A_83, %mul3A_85 : i32
    %add3A_87 = arith.constant 256 : i32
    %add3A_88 = arith.addi %add3A_86, %add3A_87 : i32
    %mul3A_89 = arith.constant 640 : i32
    %mul3A_90 = arith.muli %arg1, %mul3A_89 : i32
    %add3A_91 = arith.constant 384 : i32
    %add3A_92 = arith.addi %mul3A_90, %add3A_91 : i32
    %mul3A_93 = arith.constant 10240 : i32
    %mul3A_94 = arith.muli %arg0, %mul3A_93 : i32
    %mul3A_95 = arith.constant 640 : i32
    %mul3A_96 = arith.muli %arg1, %mul3A_95 : i32
    %add3A_97 = arith.addi %mul3A_94, %mul3A_96 : i32
    %add3A_98 = arith.constant 384 : i32
    %add3A_99 = arith.addi %add3A_97, %add3A_98 : i32
    %mul3A_100 = arith.constant 640 : i32
    %mul3A_101 = arith.muli %arg1, %mul3A_100 : i32
    %add3A_102 = arith.constant 512 : i32
    %add3A_103 = arith.addi %mul3A_101, %add3A_102 : i32
    %mul3A_104 = arith.constant 10240 : i32
    %mul3A_105 = arith.muli %arg0, %mul3A_104 : i32
    %mul3A_106 = arith.constant 640 : i32
    %mul3A_107 = arith.muli %arg1, %mul3A_106 : i32
    %add3A_108 = arith.addi %mul3A_105, %mul3A_107 : i32
    %add3A_109 = arith.constant 512 : i32
    %add3A_110 = arith.addi %add3A_108, %add3A_109 : i32
    %dma_start3A_111 = tpu.memref_slice %arg9[%add3A_55] : memref<20480xf32, #tpu.memory_space<hbm>> -> memref<640xf32, #tpu.memory_space<hbm>>
    %dma_start3A_112 = tpu.memref_slice %arg11[%mul3A_50] : memref<10240xf32, #tpu.memory_space<vmem_shared>> -> memref<640xf32, #tpu.memory_space<vmem_shared>>
    tpu.enqueue_dma source(%dma_start3A_112 : memref<640xf32, #tpu.memory_space<vmem_shared>>) target(%dma_start3A_111 : memref<640xf32, #tpu.memory_space<hbm>>) target_semaphore(%arg19 : memref<!tpu.dma_semaphore, #tpu.memory_space<semaphore_mem>>)
    %dma_start3A_113 = arith.constant 0 : i32
    %dma_start3A_114 = tpu.memref_slice %arg8[%add3A_66, %dma_start3A_113] : memref<20480x128xf32, #tpu.memory_space<hbm>> -> memref<128x128xf32, #tpu.memory_space<hbm>>
    %dma_start3A_115 = arith.constant 0 : i32
    %dma_start3A_116 = tpu.memref_slice %arg10[%add3A_59, %dma_start3A_115] : memref<10240x128xf32, #tpu.memory_space<vmem_shared>> -> memref<128x128xf32, #tpu.memory_space<vmem_shared>>
    tpu.enqueue_dma source(%dma_start3A_116 : memref<128x128xf32, #tpu.memory_space<vmem_shared>>) target(%dma_start3A_114 : memref<128x128xf32, #tpu.memory_space<hbm>>) target_semaphore(%arg20 : memref<!tpu.dma_semaphore, #tpu.memory_space<semaphore_mem>>)
    %dma_start3A_117 = arith.constant 0 : i32
    %dma_start3A_118 = tpu.memref_slice %arg8[%add3A_77, %dma_start3A_117] : memref<20480x128xf32, #tpu.memory_space<hbm>> -> memref<128x128xf32, #tpu.memory_space<hbm>>
    %dma_start3A_119 = arith.constant 0 : i32
    %dma_start3A_120 = tpu.memref_slice %arg10[%add3A_70, %dma_start3A_119] : memref<10240x128xf32, #tpu.memory_space<vmem_shared>> -> memref<128x128xf32, #tpu.memory_space<vmem_shared>>
    tpu.enqueue_dma source(%dma_start3A_120 : memref<128x128xf32, #tpu.memory_space<vmem_shared>>) target(%dma_start3A_118 : memref<128x128xf32, #tpu.memory_space<hbm>>) target_semaphore(%arg21 : memref<!tpu.dma_semaphore, #tpu.memory_space<semaphore_mem>>)
    %dma_start3A_121 = arith.constant 0 : i32
    %dma_start3A_122 = tpu.memref_slice %arg8[%add3A_88, %dma_start3A_121] : memref<20480x128xf32, #tpu.memory_space<hbm>> -> memref<128x128xf32, #tpu.memory_space<hbm>>
    %dma_start3A_123 = arith.constant 0 : i32
    %dma_start3A_124 = tpu.memref_slice %arg10[%add3A_81, %dma_start3A_123] : memref<10240x128xf32, #tpu.memory_space<vmem_shared>> -> memref<128x128xf32, #tpu.memory_space<vmem_shared>>
    tpu.enqueue_dma source(%dma_start3A_124 : memref<128x128xf32, #tpu.memory_space<vmem_shared>>) target(%dma_start3A_122 : memref<128x128xf32, #tpu.memory_space<hbm>>) target_semaphore(%arg22 : memref<!tpu.dma_semaphore, #tpu.memory_space<semaphore_mem>>)
    %dma_start3A_125 = arith.constant 0 : i32
    %dma_start3A_126 = tpu.memref_slice %arg8[%add3A_99, %dma_start3A_125] : memref<20480x128xf32, #tpu.memory_space<hbm>> -> memref<128x128xf32, #tpu.memory_space<hbm>>
    %dma_start3A_127 = arith.constant 0 : i32
    %dma_start3A_128 = tpu.memref_slice %arg10[%add3A_92, %dma_start3A_127] : memref<10240x128xf32, #tpu.memory_space<vmem_shared>> -> memref<128x128xf32, #tpu.memory_space<vmem_shared>>
    tpu.enqueue_dma source(%dma_start3A_128 : memref<128x128xf32, #tpu.memory_space<vmem_shared>>) target(%dma_start3A_126 : memref<128x128xf32, #tpu.memory_space<hbm>>) target_semaphore(%arg19 : memref<!tpu.dma_semaphore, #tpu.memory_space<semaphore_mem>>)
    %dma_start3A_129 = arith.constant 0 : i32
    %dma_start3A_130 = tpu.memref_slice %arg8[%add3A_110, %dma_start3A_129] : memref<20480x128xf32, #tpu.memory_space<hbm>> -> memref<128x128xf32, #tpu.memory_space<hbm>>
    %dma_start3A_131 = arith.constant 0 : i32
    %dma_start3A_132 = tpu.memref_slice %arg10[%add3A_103, %dma_start3A_131] : memref<10240x128xf32, #tpu.memory_space<vmem_shared>> -> memref<128x128xf32, #tpu.memory_space<vmem_shared>>
    tpu.enqueue_dma source(%dma_start3A_132 : memref<128x128xf32, #tpu.memory_space<vmem_shared>>) target(%dma_start3A_130 : memref<128x128xf32, #tpu.memory_space<hbm>>) target_semaphore(%arg20 : memref<!tpu.dma_semaphore, #tpu.memory_space<semaphore_mem>>)
    %dma_wait3A_133 = tpu.memref_slice %arg9[%add3A_55] : memref<20480xf32, #tpu.memory_space<hbm>> -> memref<640xf32, #tpu.memory_space<hbm>>
    %dma_wait3A_134 = tpu.memref_slice %arg11[%mul3A_50] : memref<10240xf32, #tpu.memory_space<vmem_shared>> -> memref<640xf32, #tpu.memory_space<vmem_shared>>
    tpu.wait_dma2 semaphore(%arg19 : memref<!tpu.dma_semaphore, #tpu.memory_space<semaphore_mem>>) src(%dma_wait3A_134 : memref<640xf32, #tpu.memory_space<vmem_shared>>) dst(%dma_wait3A_133 : memref<640xf32, #tpu.memory_space<hbm>>)
    %dma_wait3A_135 = arith.constant 0 : i32
    %dma_wait3A_136 = tpu.memref_slice %arg8[%add3A_66, %dma_wait3A_135] : memref<20480x128xf32, #tpu.memory_space<hbm>> -> memref<128x128xf32, #tpu.memory_space<hbm>>
    %dma_wait3A_137 = arith.constant 0 : i32
    %dma_wait3A_138 = tpu.memref_slice %arg10[%add3A_59, %dma_wait3A_137] : memref<10240x128xf32, #tpu.memory_space<vmem_shared>> -> memref<128x128xf32, #tpu.memory_space<vmem_shared>>
    tpu.wait_dma2 semaphore(%arg20 : memref<!tpu.dma_semaphore, #tpu.memory_space<semaphore_mem>>) src(%dma_wait3A_138 : memref<128x128xf32, #tpu.memory_space<vmem_shared>>) dst(%dma_wait3A_136 : memref<128x128xf32, #tpu.memory_space<hbm>>)
    %dma_wait3A_139 = arith.constant 0 : i32
    %dma_wait3A_140 = tpu.memref_slice %arg8[%add3A_77, %dma_wait3A_139] : memref<20480x128xf32, #tpu.memory_space<hbm>> -> memref<128x128xf32, #tpu.memory_space<hbm>>
    %dma_wait3A_141 = arith.constant 0 : i32
    %dma_wait3A_142 = tpu.memref_slice %arg10[%add3A_70, %dma_wait3A_141] : memref<10240x128xf32, #tpu.memory_space<vmem_shared>> -> memref<128x128xf32, #tpu.memory_space<vmem_shared>>
    tpu.wait_dma2 semaphore(%arg21 : memref<!tpu.dma_semaphore, #tpu.memory_space<semaphore_mem>>) src(%dma_wait3A_142 : memref<128x128xf32, #tpu.memory_space<vmem_shared>>) dst(%dma_wait3A_140 : memref<128x128xf32, #tpu.memory_space<hbm>>)
    %dma_wait3A_143 = arith.constant 0 : i32
    %dma_wait3A_144 = tpu.memref_slice %arg8[%add3A_88, %dma_wait3A_143] : memref<20480x128xf32, #tpu.memory_space<hbm>> -> memref<128x128xf32, #tpu.memory_space<hbm>>
    %dma_wait3A_145 = arith.constant 0 : i32
    %dma_wait3A_146 = tpu.memref_slice %arg10[%add3A_81, %dma_wait3A_145] : memref<10240x128xf32, #tpu.memory_space<vmem_shared>> -> memref<128x128xf32, #tpu.memory_space<vmem_shared>>
    tpu.wait_dma2 semaphore(%arg22 : memref<!tpu.dma_semaphore, #tpu.memory_space<semaphore_mem>>) src(%dma_wait3A_146 : memref<128x128xf32, #tpu.memory_space<vmem_shared>>) dst(%dma_wait3A_144 : memref<128x128xf32, #tpu.memory_space<hbm>>)
    %dma_wait3A_147 = arith.constant 0 : i32
    %dma_wait3A_148 = tpu.memref_slice %arg8[%add3A_99, %dma_wait3A_147] : memref<20480x128xf32, #tpu.memory_space<hbm>> -> memref<128x128xf32, #tpu.memory_space<hbm>>
    %dma_wait3A_149 = arith.constant 0 : i32
    %dma_wait3A_150 = tpu.memref_slice %arg10[%add3A_92, %dma_wait3A_149] : memref<10240x128xf32, #tpu.memory_space<vmem_shared>> -> memref<128x128xf32, #tpu.memory_space<vmem_shared>>
    tpu.wait_dma2 semaphore(%arg19 : memref<!tpu.dma_semaphore, #tpu.memory_space<semaphore_mem>>) src(%dma_wait3A_150 : memref<128x128xf32, #tpu.memory_space<vmem_shared>>) dst(%dma_wait3A_148 : memref<128x128xf32, #tpu.memory_space<hbm>>)
    %dma_wait3A_151 = arith.constant 0 : i32
    %dma_wait3A_152 = tpu.memref_slice %arg8[%add3A_110, %dma_wait3A_151] : memref<20480x128xf32, #tpu.memory_space<hbm>> -> memref<128x128xf32, #tpu.memory_space<hbm>>
    %dma_wait3A_153 = arith.constant 0 : i32
    %dma_wait3A_154 = tpu.memref_slice %arg10[%add3A_103, %dma_wait3A_153] : memref<10240x128xf32, #tpu.memory_space<vmem_shared>> -> memref<128x128xf32, #tpu.memory_space<vmem_shared>>
    tpu.wait_dma2 semaphore(%arg20 : memref<!tpu.dma_semaphore, #tpu.memory_space<semaphore_mem>>) src(%dma_wait3A_154 : memref<128x128xf32, #tpu.memory_space<vmem_shared>>) dst(%dma_wait3A_152 : memref<128x128xf32, #tpu.memory_space<hbm>>)
    return
  }
}

module attributes {stable_mosaic.version = 14 : i64} {
  func.func @_tc_body(%arg0: memref<20480x128xf32, #tpu.memory_space<vmem>>, %arg1: memref<20480xf32, #tpu.memory_space<vmem>>, %arg2: memref<10000x128xf32, #tpu.memory_space<vmem>>, %arg3: memref<256x128xf32, #tpu.memory_space<vmem>>, %arg4: memref<1x128xf32, #tpu.memory_space<vmem>>, %arg5: memref<10000x128xf32, #tpu.memory_space<vmem>>) attributes {dimension_semantics = [], scalar_prefetch = 0 : i64, scratch_operands = 0 : i64, tpu.core_type = #tpu.core_type<tc>} {
    %get3A = arith.constant 0 : index
    %get3A_0 = arith.constant 0 : index
    %get3A_1 = vector.load %arg0[%get3A, %get3A_0] : memref<20480x128xf32, #tpu.memory_space<vmem>>, vector<10000x128xf32>
    %get3A_2 = arith.constant 10240 : index
    %get3A_3 = arith.constant 0 : index
    %get3A_4 = vector.load %arg0[%get3A_2, %get3A_3] : memref<20480x128xf32, #tpu.memory_space<vmem>>, vector<10000x128xf32>
    %add3A = arith.addf %get3A_1, %get3A_4 : vector<10000x128xf32>
    %get3A_5 = arith.constant 0 : index
    %get3A_6 = vector.load %arg1[%get3A_5] : memref<20480xf32, #tpu.memory_space<vmem>>, vector<10000xf32>
    %get3A_7 = arith.constant 10240 : index
    %get3A_8 = vector.load %arg1[%get3A_7] : memref<20480xf32, #tpu.memory_space<vmem>>, vector<10000xf32>
    %add3A_9 = arith.addf %get3A_6, %get3A_8 : vector<10000xf32>
    %reshape3A = vector.shape_cast %add3A_9 : vector<10000xf32> to vector<10000x1xf32>
    %get3A_10 = arith.constant 0 : index
    %get3A_11 = arith.constant 0 : index
    %get3A_12 = vector.load %arg3[%get3A_10, %get3A_11] : memref<256x128xf32, #tpu.memory_space<vmem>>, vector<128x128xf32>
    %get3A_13 = arith.constant 128 : index
    %get3A_14 = arith.constant 0 : index
    %get3A_15 = vector.load %arg3[%get3A_13, %get3A_14] : memref<256x128xf32, #tpu.memory_space<vmem>>, vector<128x128xf32>
    %get3A_16 = arith.constant 0 : index
    %get3A_17 = arith.constant 0 : index
    %get3A_18 = vector.load %arg2[%get3A_16, %get3A_17] : memref<10000x128xf32, #tpu.memory_space<vmem>>, vector<10000x128xf32>
    %dot_general3A = arith.constant dense<0.000000e+00> : vector<10000x128xf32>
    %dot_general3A_19 = tpu.matmul %get3A_18, %get3A_15, %dot_general3A {dimension_numbers = #tpu.dot_dimension_numbers<[1], [0], [0], [1], [0, 0, 1, 1], [], []>, transpose_lhs_hint = false} : vector<10000x128xf32>, vector<128x128xf32>, vector<10000x128xf32> -> vector<10000x128xf32>
    %sub3A = arith.subf %get3A_12, %get3A_15 : vector<128x128xf32>
    %dot_general3A_20 = arith.constant dense<0.000000e+00> : vector<10000x128xf32>
    %dot_general3A_21 = tpu.matmul %add3A, %sub3A, %dot_general3A_20 {dimension_numbers = #tpu.dot_dimension_numbers<[1], [0], [0], [1], [0, 0, 1, 1], [], []>, transpose_lhs_hint = false} : vector<10000x128xf32>, vector<128x128xf32>, vector<10000x128xf32> -> vector<10000x128xf32>
    %get3A_22 = arith.constant 0 : index
    %get3A_23 = arith.constant 0 : index
    %get3A_24 = vector.load %arg4[%get3A_22, %get3A_23] : memref<1x128xf32, #tpu.memory_space<vmem>>, vector<1x128xf32>
    %add3A_25 = vector.broadcast %get3A_24 : vector<1x128xf32> to vector<10000x128xf32>
    %add3A_26 = arith.addf %dot_general3A_19, %add3A_25 : vector<10000x128xf32>
    %mul3A = vector.broadcast %reshape3A : vector<10000x1xf32> to vector<10000x128xf32>
    %mul3A_27 = arith.mulf %mul3A, %add3A_26 : vector<10000x128xf32>
    %add3A_28 = arith.addf %dot_general3A_21, %mul3A_27 : vector<10000x128xf32>
    %swap3A = arith.constant 0 : index
    %swap3A_29 = arith.constant 0 : index
    %swap3A_30 = vector.load %arg5[%swap3A, %swap3A_29] : memref<10000x128xf32, #tpu.memory_space<vmem>>, vector<10000x128xf32>
    tpu.vector_store %arg5[%swap3A, %swap3A_29], %add3A_28 {strides = array<i32>} : memref<10000x128xf32, #tpu.memory_space<vmem>>, vector<10000x128xf32>,
    return
  }
}

</mosaic_0001>

<sc_bundles>
// kernel: kernel.4.cloned.1.call-start
scs
__scs_entry_jumppad:
0x0: {  	(pc) =	sbr.rel $0x88, $3  }
0x1: {  	(tag) =	ssettag $0x0;
	lr =	simm.s32 $0x1  }
0x2: {  	[smem:$0x3F9C] =	sst lr;
	_ =	strace $0xD0000000  }
0x3: {  	_ = 	snop  }
0x4: {  	_ = 	snop  }
0x5: {  	_ = 	snop  }
0x6: {  	_ = 	snop  }
0x7: {  	_ = 	snop  }
__scs_overlays_trampoline_lowered:
0x8: {  	[smem:$0x3FAB] =	sst s0  }
0x9: {  	[smem:$0x3FAC] =	sst s1  }
0xa: {  	[smem:$0x3FAD] =	sst s2  }
0xb: {  	[smem:$0x3FAE] =	sst s3  }
0xc: {  	[smem:$0x3FAF] =	sst s4  }
0xd: {  	[smem:$0x3FB0] =	sst s5  }
0xe: {  	[smem:$0x3FB1] =	sst s6  }
0xf: {  	[smem:$0x3FB2] =	sst s7  }
0x10: {  	[smem:$0x3FB3] =	sst s8  }
0x11: {  	[smem:$0x3FB4] =	sst s9;
	s0 =	simm.s32 @!p0 $0x0  }
0x12: {  	s1 =	sld [smem:$0x3F9A];
	s0 =	simm.s32 @p0 $0x1  }
0x13: {  	[smem:$0x3FB5] =	sst s0;
	s0 =	simm.s32 @!p1 $0x0  }
0x14: {  	s2 =	sld [smem:$0x3F99];
	s0 =	simm.s32 @p1 $0x1  }
0x15: {  	[smem:$0x3FB6] =	sst s0;
	s0 =	simm.s32 @!p2 $0x0  }
0x16: {  	s3 =	sld [smem:$0x3FDB];
	s0 =	simm.s32 @p2 $0x1  }
0x17: {  	s4 =	simm.s32 $0x1BF5;
	[smem:$0x3FB8] =	sst s0  }
0x18: {  	s0 =	sld [smem:$0x3F9B];
	_ =	swait.ge [sflag:s4], $0x0  }
0x19: {  	s7 =	sld [smem:$0x3F9C]  }
0x1a: {  	s8 =	sadd.s32 $0xFFFFE003, lr  }
0x1b: {  	s9 =	sadd.s32 $0xFFFFFEF7, lr;
	s5 =	simm.s32 $0xFFFFFFFF;
	p2 =	slt.u32 s8, $0xFFFFF086  }
0x1c: {  	p1 =	slt.u32 s9, $0xF7A;
	s5 =	simm.s32 @!p2 $0x0  }
0x1d: {  	s5 =	simm.s32 @p1 $0x1;
	p0 =	seq.s32 s7, s2  }
0x1e: {  	s7 =	smul.u32 @!p0 $0xF7A, s2;
	p2 =	seq.s32 @!p0 s5, $0x0  }
0x1f: {  	s9 =	smul.u32 $0xF7A, s1;
	s8 =	simm.s32 @!p0 $0x1BF5;
	p2 =	por !p2, p0  }
0x20: {  	[sflag:s8] =	ssyncset.s32 @!p0 $0xFFFFF086;
	s6 =	sadd.s32 @!p0 s3, s7;
	s7 =	simm.s32 @!p0 $0x108  }
0x21: {  	s3 =	sadd.s32 s3, s9;
	s6 =	sadd.s32 @!p0 $0x88, s6;
	s7 =	simm.s32 @p2 $0x1082  }
0x22: {  	[simem:s7], [sflag:s8] =	dma.local @!p0 [hbm:s6], $0xF7A  }
0x23: {  	s9 =	sor.u32 $0xD0000000, s2;
	s6 =	simm.s32 $0x108;
	_ =	swait.ge @!p0 [sflag:s8], $0x0  }
0x24: {  	s3 =	sadd.s32 $0x88, s3;
	s6 =	simm.s32 @!p1 $0x1082;
	[sflag:s4] =	ssyncset.s32 $0xFFFFF086  }
0x25: {  	[simem:s6], [sflag:s4] =	dma.local [hbm:s3], $0xF7A  }
0x26: {  	[smem:$0x3F9C] =	sst s1;
	(tag) =	ssettag s2;
	_ =	strace s9  }
0x27: {  	s1 =	sld [smem:$0x3FAC]  }
0x28: {  	s2 =	sld [smem:$0x3FAD]  }
0x29: {  	s4 =	sld [smem:$0x3FAF]  }
0x2a: {  	p0 =	seq.s32 s5, $0x0;
	s5 =	sld [smem:$0x3FB0]  }
0x2b: {  	s6 =	sld [smem:$0x3FB1]  }
0x2c: {  	s7 =	sld [smem:$0x3FB2]  }
0x2d: {  	s3 =	simm.s32 $0x108;
	s8 =	sld [smem:$0x3FB3]  }
0x2e: {  	s3 =	simm.s32 @!p0 $0x1082;
	s9 =	sld [smem:$0x3FB4]  }
0x2f: {  	lr =	sadd.s32 s0, s3;
	s0 =	sld [smem:$0x3FAB]  }
0x30: {  	s3 =	sld [smem:$0x3FAE]  }
0x31: {  	[smem:$0x3FB7] =	sst s10  }
0x32: {  	s10 =	sld [smem:$0x3FB5];
	_ =	sdelay $0x3  }
0x33: {  	p0 =	seq.s32 s10, $0x1;
	s10 =	sld [smem:$0x3FB7];
	_ =	sdelay $0x3  }
0x34: {  	[smem:$0x3FB7] =	sst s10  }
0x35: {  	s10 =	sld [smem:$0x3FB6];
	_ =	sdelay $0x3  }
0x36: {  	p1 =	seq.s32 s10, $0x1;
	s10 =	sld [smem:$0x3FB7];
	_ =	sdelay $0x3  }
0x37: {  	[smem:$0x3FB7] =	sst s10  }
0x38: {  	s10 =	sld [smem:$0x3FB8]  }
0x39: {  	_ = 	snop;
	(pc) =	sbr.ind lr, $3  }
0x3a: {  	_ = 	snop  }
0x3b: {  	_ = 	snop  }
0x3c: {  	p2 =	seq.s32 s10, $0x1;
	s10 =	sld [smem:$0x3FB7]  }
0x3d: {  	_ =	shalt  }
0x3e: {  	_ =	shalt  }
0x3f: {  	_ =	shalt  }
0x40: {  	_ =	shalt  }
0x41: {  	_ =	shalt  }
0x42: {  	_ =	shalt  }
0x43: {  	_ =	shalt  }
0x44: {  	_ =	shalt  }
0x45: {  	_ =	shalt  }
0x46: {  	_ =	shalt  }
0x47: {  	_ =	shalt  }
0x48: {  	_ =	shalt  }
0x49: {  	_ =	shalt  }
0x4a: {  	_ =	shalt  }
0x4b: {  	_ =	shalt  }
0x4c: {  	_ =	shalt  }
0x4d: {  	_ =	shalt  }
0x4e: {  	_ =	shalt  }
0x4f: {  	_ =	shalt  }
0x50: {  	_ =	shalt  }
0x51: {  	_ =	shalt  }
0x52: {  	_ =	shalt  }
0x53: {  	_ =	shalt  }
0x54: {  	_ =	shalt  }
0x55: {  	_ =	shalt  }
0x56: {  	_ =	shalt  }
0x57: {  	_ =	shalt  }
0x58: {  	_ =	shalt  }
0x59: {  	_ =	shalt  }
0x5a: {  	_ =	shalt  }
0x5b: {  	_ =	shalt  }
0x5c: {  	_ =	shalt  }
0x5d: {  	_ =	shalt  }
0x5e: {  	_ =	shalt  }
0x5f: {  	_ =	shalt  }
0x60: {  	_ =	shalt  }
0x61: {  	_ =	shalt  }
0x62: {  	_ =	shalt  }
0x63: {  	_ =	shalt  }
0x64: {  	_ =	shalt  }
0x65: {  	_ =	shalt  }
0x66: {  	_ =	shalt  }
0x67: {  	_ =	shalt  }
0x68: {  	_ =	shalt  }
0x69: {  	_ =	shalt  }
0x6a: {  	_ =	shalt  }
0x6b: {  	_ =	shalt  }
0x6c: {  	_ =	shalt  }
0x6d: {  	_ =	shalt  }
0x6e: {  	_ =	shalt  }
0x6f: {  	_ =	shalt  }
0x70: {  	_ =	shalt  }
0x71: {  	_ =	shalt  }
0x72: {  	_ =	shalt  }
0x73: {  	_ =	shalt  }
0x74: {  	_ =	shalt  }
0x75: {  	_ =	shalt  }
0x76: {  	_ =	shalt  }
0x77: {  	_ =	shalt  }
0x78: {  	_ =	shalt  }
0x79: {  	_ =	shalt  }
0x7a: {  	_ =	shalt  }
0x7b: {  	_ =	shalt  }
0x7c: {  	_ =	shalt  }
0x7d: {  	_ =	shalt  }
0x7e: {  	_ =	shalt  }
0x7f: {  	_ =	shalt  }
0x80: {  	_ =	shalt  }
0x81: {  	_ =	shalt  }
0x82: {  	_ =	shalt  }
0x83: {  	_ =	shalt  }
0x84: {  	_ =	shalt  }
0x85: {  	_ =	shalt  }
0x86: {  	_ =	shalt  }
0x87: {  	_ =	shalt  }
.Lfunc_end0:
.L_simem_size_0:
called_computation_lowered:
.L_overlay_start_0:
0x88: {  	s2 =	sld [smem:$0x3FD9]  }
0x89: {  	s3 =	sld [smem:$0x3FFE];
	_ =	sdelay $0x1  }
0x8a: {  	s1 =	srdreg.scid  }
0x8b: {  	s0 =	sand.u32 $0x1, s1  }
0x8c: {  	s17 =	sshll.u32 s0, $0xA;
	s2 =	sadd.s32 s3, s2  }
0x8d: {  	s2 =	sadd.s32 s2, s17  }
0x8e: {  	[smem:$0x3FC3] =	sst s2  }
0x8f: {  	_ = 	snop  }
0x90: {  	s2 =	sld [smem:$0x3FC9]  }
0x91: {  	s18 =	sld [smem:$0x3FD0];
	(tm) =	ssettm $0x1  }
0x92: {  	s4 =	sld [smem:$0x3FFB];
	_ =	sdelay $0x3  }
0x93: {  	_ =	strace s4  }
0x94: {  	s4 =	sld [smem:$0x3FFC];
	_ =	sdelay $0x3  }
0x95: {  	_ =	strace s4  }
0x96: {  	s4 =	sld [smem:$0x3FFD];
	_ =	sdelay $0x3  }
0x97: {  	_ =	strace s4  }
0x98: {  	_ =	strace $0x8FFFFFFF  }
0x99: {  	s19 =	sld [smem:$0x3FDB];
	_ =	sdelay $0x1  }
0x9a: {  	s5 =	simm.s32 $_scs_section_size  }
0x9b: {  	s6 =	simm.s32 $_size__tile_overlayer_lowered;
	s7 =	simm.s32 $_tile_overlayer_lowered  }
0x9c: {  	s22 =	simm.s32 $0x1BFF;
	s21 =	sshll.u32 s7, $0x1;
	s4 =	sadd.s32 s5, s19  }
0x9d: {  	s8 =	simm.s32 $0x0;
	s20 =	sshll.u32 s6, $0x1;
	s6 =	sadd.s32 s21, s4  }
0x9e: {  	[timem:s8], [sflag:s22] =	dma.local [hbm:s6], s20  }
0x9f: {  	_ =	swait.ge [sflag:s22], s20  }
0xa0: {  	s5 =	ssub.s32 $0x0, s20;
	[sflag:s22] =	ssyncset.done $0x0  }
0xa1: {  	[sflag:s22] =	ssyncadd.s32 s5;
	_ =	sdelay $0x1  }
0xa2: {  	s23 =	simm.s32 $0x1B8B  }
0xa3: {  	_ =	swait.ge [sflag:s23], $0x1  }
0xa4: {  	[sflag:s23] =	ssyncset.done $0x0  }
0xa5: {  	s25 =	simm.s32 $0x1B8E;
	s24 =	sld [smem:$0x3FFE];
	[sflag:s23] =	ssyncadd.s32 $0xFFFFFFFF  }
0xa6: {  	s26 =	simm.s32 $execute0_lowered;
	[smem:$0x3FD2] =	sst s25  }
0xa7: {  	s6 =	sshll.u32 s26, $0x1;
	_ =	strace $0x80000046;
	[dreg:$0x1] =	wrdreg $0xFFFFFFFF  }
0xa8: {  	s28 =	simm.s32 $_size_execute0_lowered;
	s4 =	sadd.s32 s4, s6;
	[dreg:$0x0] =	wrdreg $0x0  }
0xa9: {  	s6 =	sshll.u32 s28, $0x1;
	[dreg:$0x2] =	wrdreg s4  }
0xaa: {  	[dreg:$0x3] =	wrdreg s6  }
0xab: {  	[dreg:$0x4] =	wrdreg $0xC0  }
0xac: {  	_ =	task [dreg:s8], $0x5FFFF  }
0xad: {  	[dreg:$0x1] =	wrdreg $0xFFFFFFFF  }
0xae: {  	[dreg:$0x0] =	wrdreg $0x60  }
0xaf: {  	[dreg:$0x2] =	wrdreg s2  }
0xb0: {  	[dreg:$0x3] =	wrdreg s18  }
0xb1: {  	[dreg:$0x4] =	wrdreg s24  }
0xb2: {  	[dreg:$0x5] =	wrdreg $0x0  }
0xb3: {  	[dreg:$0x6] =	wrdreg $0x140000  }
0xb4: {  	[dreg:$0x7] =	wrdreg $0x9  }
0xb5: {  	_ =	task.clear_ibuf [dreg:s8], $0x8FFFF;
	_ =	strace $0x90000046  }
0xb6: {  	s29 =	simm.s32 $0x9;
	_ =	strace $0x80000048  }
0xb7: {  	_ =	swait.ge [sflag:s29], $0x1  }
0xb8: {  	[sflag:s29] =	ssyncadd.s32 $0xFFFFFFFF  }
0xb9: {  	_ =	strace $0x90000048  }
0xba: {  	_ =	sfence  }
0xbb: {  	s30 =	sld [smem:$0x0];
	_ =	sdelay $0x2  }
0xbc: {  	s31 =	sshll.u32 s1, $0xD;
	s1 =	sshrl.u32 s1, $0x2  }
0xbd: {  	s3 =	sand.u32 $0x4000, s31;
	s1 =	sadd.s32 s1, s30  }
0xbe: {  	s0 =	sor.u32 s3, s0;
	s1 =	sshll.u32 s1, $0x11  }
0xbf: {  	s0 =	sor.u32 s1, s0  }
0xc0: {  	s0 =	sadd.s32 $0x8F2B, s0  }
0xc1: {  	[sflag:s0] =	ssyncadd.remote.s32 $0x1  }
0xc2: {  	_ =	sfence.sel $0xFFFF  }
0xc3: {  	[dreg:$0x0] =	wrdreg $0xFFFFFFFF;
	(pc) =	sbr.abs _section_cstart, $3  }
0xc4: {  	[dreg:$0x1] =	wrdreg $0xFFFFFFFF  }
0xc5: {  	_ =	task.clear_ibuf [dreg:s8], $0x2FFFF;
	_ =	strace $0x9FFFFFFF  }
0xc6: {  	(tm) =	ssettm $0x7FFFFFFF  }
0xc7: {  	_ =	shalt  }
tec
execute0_lowered:
.L_overlay_start_1:
0x0: {  	(tag) =	ssettag $0x1  }
0x1: {  	s1 =	rddreg [dreg:$0x0]  }
0x2: {  	s0 =	rddreg [dreg:$0x2]  }
0x3: {  	s4 =	rddreg [dreg:$0x3]  }
0x4: {  	s5 =	rddreg [dreg:$0x4]  }
0x5: {  	s2 =	srdreg.scid;
	s11 =	stileid.u32;
	s6 =	simm.s32 $0x0  }
0x6: {  	s28 =	simm.s32 $0x1;
	s29 =	simm.s32 $0x2;
	s30 =	simm.s32 $0x3  }
0x7: {  	s31 =	simm.s32 $0x4;
	s2 =	sand.u32 $0x1, s2;
	s3 =	smul.u32 $0x280, s11  }
0x8: {  	[smem:$0x7FF] =	sst s6;
	s7 =	sadd.s32 $0x1A00, s0;
	s8 =	sadd.s32 $0xBE00, s0  }
0x9: {  	s13 =	sadd.s32 $0xBC00, s0;
	_ =	strace $0x80000047;
	[dreg:$0x6] =	wrdreg s8  }
0xa: {  	s14 =	sadd.s32 $0xBA00, s0;
	s9 =	smul.u32 $0x50000, s11;
	[dreg:$0x7] =	wrdreg s13  }
0xb: {  	s11 =	sshll.u32 s11, $0x1;
	s12 =	smul.u32 $0x2800, s2;
	[dreg:$0x8] =	wrdreg s14  }
0xc: {  	s16 =	ssub.s32 $0x2, s2;
	s2 =	sor.u32 s2, s11;
	s14 =	simm.s32 $0x1AA80  }
0xd: {  	s10 =	sshrl.u32 s16, $0x1;
	s9 =	sshrl.u32 s9, $0x2;
	s6 =	sadd.s32 s3, s12  }
0xe: {  	s9 =	sadd.s32 s9, s4;
	s3 =	sadd.s32 s3, s5;
	s12 =	simm.s32 $0x18A80  }
0xf: {  	s15 =	sshll.u32 s6, $0x4;
	s6 =	sshrl.u32 s6, $0x3;
	[dreg:$0xa] =	wrdreg s3  }
0x10: {  	s17 =	sadd.s32 $0x4000, s9;
	s18 =	sadd.s32 $0x8000, s9;
	[dreg:$0x9] =	wrdreg s9  }
0x11: {  	s19 =	sadd.s32 $0xC000, s9;
	s20 =	sadd.s32 $0x10000, s9;
	[dreg:$0xb] =	wrdreg s17  }
0x12: {  	s3 =	simm.s32 $0x40;
	s9 =	simm.s32 $0x16A80;
	[dreg:$0xc] =	wrdreg s18  }
0x13: {  	s8 =	sadd.s32 s15, s0;
	s0 =	sadd.s32 s6, s0;
	[dreg:$0xd] =	wrdreg s19  }
0x14: {  	s6 =	ssub.s32 s16, s10;
	[dreg:$0xe] =	wrdreg s20;
	s17 =	smul.u32 $0x50, s2  }
0x15: {  	s16 =	simm.s32 $0x1CA80;
	s18 =	simm.s32 $0x16880;
	s0 =	sadd.s32 $0x5C600, s0  }
0x16: {  	s20 =	simm.s32 $0x168C0;
	s21 =	sadd.s32 $0xC600, s8;
	[dreg:$0xf] =	wrdreg s0  }
0x17: {  	s2 =	simm.s32 $0x169C0;
	s22 =	sadd.s32 $0xCE00, s8;
	[dreg:$0x10] =	wrdreg s21  }
0x18: {  	s10 =	simm.s32 $0x16A40;
	s23 =	sadd.s32 $0xD600, s8;
	[dreg:$0x11] =	wrdreg s22  }
0x19: {  	s15 =	simm.s32 $0x0;
	s24 =	sadd.s32 $0xDE00, s8;
	[dreg:$0x12] =	wrdreg s23  }
0x1a: {  	s25 =	sadd.s32 $0xE600, s8;
	s26 =	smax.u32 s6, $0x1;
	[dreg:$0x13] =	wrdreg s24  }
0x1b: {  	s8 =	simm.s32 $0x16980;
	s6 =	simm.s32 $0x16A00;
	[dreg:$0x14] =	wrdreg s25  }
0x1c: {  	[dreg:$0x15] =	wrdreg s26;
	s25 =	simm.s32 $0x1EA80;
	s26 =	simm.s32 $0x5  }
0x1d: {  	s0 =	simm.s32 $0x14280;
	s22 =	simm.s32 $0x16900;
	s24 =	simm.s32 $0x16940  }
.LBB2_1:
0x1e: {  	[dreg:$0x16] =	wrdreg s15  }
0x1f: {  	s13 =	simm.s32 $0x0;
	s11 =	rddreg [dreg:$0x8]  }
0x20: {  	[tilespmem:s25], [sflag:$0x5] =	stream.linear.gather [hbm4b:s11+s13], $0x80, $0x38;
	[tilespmem:$0x1EB00] =	vst v63  }
0x21: {  	s15 =	stileid.u32;
	_ =	swait.ge [sflag:s26], $0x80  }
0x22: {  	s13 =	sshll.u32 s15, $0x6;
	s19 =	rddreg [dreg:$0xa]  }
0x23: {  	[sflag:s26] =	ssyncset.done $0x0;
	s23 =	rddreg [dreg:$0x7];
	s19 =	sshrl.u32 s19, $0x3  }
0x24: {  	s21 =	sor.u32 $0x1C01, s13;
	[sflag:s26] =	ssyncadd.s32 $0xFFFFFF80;
	[dreg:$0x19] =	wrdreg s19  }
0x25: {  	[spmem:s19], [sflag:s21] =	dma.local [hbm:s23], $0x50  }
0x26: {  	s15 =	rddreg [dreg:$0x9]  }
0x27: {  	s11 =	sshrl.u32 s15, $0x3;
	s15 =	rddreg [dreg:$0x6]  }
0x28: {  	s23 =	sor.u32 $0x1C02, s13;
	[dreg:$0x1a] =	wrdreg s11  }
0x29: {  	[spmem:s11], [sflag:s23] =	dma.local [hbm:s15], $0x800  }
0x2a: {  	s11 =	sor.u32 $0x1C03, s13;
	s19 =	rddreg [dreg:$0xb]  }
0x2b: {  	[dreg:$0x1b] =	wrdreg s11;
	s19 =	sshrl.u32 s19, $0x3  }
0x2c: {  	[dreg:$0x1c] =	wrdreg s19  }
0x2d: {  	[spmem:s19], [sflag:s11] =	dma.local [hbm:s15], $0x800  }
0x2e: {  	s19 =	sor.u32 $0x1C04, s13;
	s13 =	rddreg [dreg:$0xc]  }
0x2f: {  	[dreg:$0x1d] =	wrdreg s19;
	s13 =	sshrl.u32 s13, $0x3  }
0x30: {  	[dreg:$0x1e] =	wrdreg s13  }
0x31: {  	[spmem:s13], [sflag:s19] =	dma.local [hbm:s15], $0x800  }
0x32: {  	s13 =	rddreg [dreg:$0xd]  }
0x33: {  	[dreg:$0x17] =	wrdreg s21;
	s13 =	sshrl.u32 s13, $0x3  }
0x34: {  	[dreg:$0x1f] =	wrdreg s13  }
0x35: {  	[spmem:s13], [sflag:s21] =	dma.local [hbm:s15], $0x800  }
0x36: {  	s13 =	rddreg [dreg:$0xe]  }
0x37: {  	[dreg:$0x18] =	wrdreg s23;
	s13 =	sshrl.u32 s13, $0x3  }
0x38: {  	[smem:$0x7FD] =	sst s13  }
0x39: {  	[spmem:s13], [sflag:s23] =	dma.local [hbm:s15], $0x800  }
0x3a: {  	_ =	swait.ge [sflag:s28], $0x50  }
0x3b: {  	[sflag:s28] =	ssyncset.done $0x0  }
0x3c: {  	[sflag:s28] =	ssyncadd.s32 $0xFFFFFFB0  }
0x3d: {  	_ =	swait.ge [sflag:s29], $0x800  }
0x3e: {  	[sflag:s29] =	ssyncset.done $0x0  }
0x3f: {  	[sflag:s29] =	ssyncadd.s32 $0xFFFFF800  }
0x40: {  	_ =	swait.ge [sflag:s30], $0x800  }
0x41: {  	[sflag:s30] =	ssyncset.done $0x0  }
0x42: {  	[sflag:s30] =	ssyncadd.s32 $0xFFFFF800  }
0x43: {  	_ =	swait.ge [sflag:s31], $0x800  }
0x44: {  	[sflag:s31] =	ssyncset.done $0x0  }
0x45: {  	[sflag:s31] =	ssyncadd.s32 $0xFFFFF800  }
0x46: {  	_ =	swait.ge [sflag:s28], $0x800  }
0x47: {  	[sflag:s28] =	ssyncset.done $0x0  }
0x48: {  	[sflag:s28] =	ssyncadd.s32 $0xFFFFF800  }
0x49: {  	_ =	swait.ge [sflag:s29], $0x800  }
0x4a: {  	p1 =	por $0x1, $0x1;
	[sflag:s29] =	ssyncset.done $0x0  }
0x4b: {  	s11 =	simm.s32 $0x15640;
	s21 =	simm.s32 $0x155C0;
	[sflag:s29] =	ssyncadd.s32 $0xFFFFF800  }
0x4c: {  	s23 =	simm.s32 $0x15600;
	s13 =	simm.s32 $0x0;
	[bflag:$0x0] =	sbarrier.arrive $0xFFFF  }
.LBB2_2:
0x4d: {  	s13 =	sadd.s32 s17, s13  }
0x4e: {  	s15 =	rddreg [dreg:$0x1];
	s13 =	sshll.u32 s13, $0x4  }
0x4f: {  	s19 =	simm.s32 $0x0;
	s15 =	sadd.s32 s15, s13  }
0x50: {  	[tilespmem:s0], [sflag:$0x5] =	stream.linear.gather [hbm4b:s15+s19], $0x1400, $0x38;
	[tilespmem:$0x1EB00] =	vst v63  }
0x51: {  	_ =	swait.ge [sflag:s26], $0x1400  }
0x52: {  	[sflag:s26] =	ssyncset.done $0x0  }
0x53: {  	s13 =	sadd.s32 s7, s13;
	s15 =	simm.s32 $0x15680;
	[sflag:s26] =	ssyncadd.s32 $0xFFFFEC00  }
0x54: {  	[tilespmem:s15], [sflag:$0x5] =	stream.linear.gather [hbm4b:s13+s19], $0x1400, $0x38;
	[tilespmem:$0x1EB00] =	vst v63  }
0x55: {  	_ =	swait.ge [sflag:s26], $0x1400  }
0x56: {  	[sflag:s26] =	ssyncset.done $0x0  }
0x57: {  	[sflag:s26] =	ssyncadd.s32 $0xFFFFEC00  }
0x58: {  	[tilespmem:s9], [sflag:$0x1] =	stream.indirect.gather [hbm4b:s1+s3], $0x80, s0, s3, $0xb8;
	[tilespmem:$0x1EB00] =	vst v63  }
0x59: {  	s15 =	simm.s32 $0x142C0  }
0x5a: {  	[tilespmem:s12], [sflag:$0x2] =	stream.indirect.gather [hbm4b:s1+s3], $0x80, s15, s3, $0xb8;
	[tilespmem:$0x1EB00] =	vst v63  }
0x5b: {  	s19 =	simm.s32 $0x14300  }
0x5c: {  	[tilespmem:s14], [sflag:$0x3] =	stream.indirect.gather [hbm4b:s1+s3], $0x80, s19, s3, $0xb8;
	[tilespmem:$0x1EB00] =	vst v63  }
0x5d: {  	s15 =	simm.s32 $0x14340  }
0x5e: {  	[tilespmem:s16], [sflag:$0x4] =	stream.indirect.gather [hbm4b:s1+s3], $0x80, s15, s3, $0xb8;
	[tilespmem:$0x1EB00] =	vst v63  }
0x5f: {  	_ =	swait.ge [sflag:s28], $0x2000  }
0x60: {  	[sflag:s28] =	ssyncset.done $0x0  }
0x61: {  	s19 =	simm.s32 $0x15680;
	[sflag:s28] =	ssyncadd.s32 $0xFFFFE000  }
0x62: {  	[spmem:s4] =	stream.indirect.scatter.add.f32 [tilespmem:s9], [sflag:$0x5], $0x80, s19, s3, $0xb8;
	[tilespmem:$0x1EB00] =	vst v63  }
0x63: {  	_ =	swait.ge [sflag:s26], $0x2000  }
0x64: {  	[sflag:s26] =	ssyncset.done $0x0  }
0x65: {  	[sflag:s26] =	ssyncadd.s32 $0xFFFFE000  }
0x66: {  	[spmem:s5] =	stream.indirect.scatter.add.f32 [tilespmem:s25], [sflag:$0x5], $0x1, s19, s3, $0xb8;
	[tilespmem:$0x1EB00] =	vst v63  }
0x67: {  	_ =	swait.ge [sflag:s26], $0x40  }
0x68: {  	[sflag:s26] =	ssyncset.done $0x0  }
0x69: {  	s15 =	simm.s32 $0x14380;
	[sflag:s26] =	ssyncadd.s32 $0xFFFFFFC0  }
0x6a: {  	[tilespmem:s9], [sflag:$0x1] =	stream.indirect.gather [hbm4b:s1+s3], $0x80, s15, s3, $0xb8;
	[tilespmem:$0x1EB00] =	vst v63  }
0x6b: {  	_ =	swait.ge [sflag:s29], $0x2000  }
0x6c: {  	[sflag:s29] =	ssyncset.done $0x0  }
0x6d: {  	s19 =	simm.s32 $0x156C0;
	[sflag:s29] =	ssyncadd.s32 $0xFFFFE000  }
0x6e: {  	[spmem:s4] =	stream.indirect.scatter.add.f32 [tilespmem:s12], [sflag:$0x5], $0x80, s19, s3, $0xb8;
	[tilespmem:$0x1EB00] =	vst v63  }
0x6f: {  	_ =	swait.ge [sflag:s26], $0x2000  }
0x70: {  	[sflag:s26] =	ssyncset.done $0x0  }
0x71: {  	[sflag:s26] =	ssyncadd.s32 $0xFFFFE000  }
0x72: {  	[spmem:s5] =	stream.indirect.scatter.add.f32 [tilespmem:s25], [sflag:$0x5], $0x1, s19, s3, $0xb8;
	[tilespmem:$0x1EB00] =	vst v63  }
0x73: {  	_ =	swait.ge [sflag:s26], $0x40  }
0x74: {  	[sflag:s26] =	ssyncset.done $0x0  }
0x75: {  	s15 =	simm.s32 $0x143C0;
	[sflag:s26] =	ssyncadd.s32 $0xFFFFFFC0  }
0x76: {  	[tilespmem:s12], [sflag:$0x2] =	stream.indirect.gather [hbm4b:s1+s3], $0x80, s15, s3, $0xb8;
	[tilespmem:$0x1EB00] =	vst v63  }
0x77: {  	_ =	swait.ge [sflag:s30], $0x2000  }
0x78: {  	[sflag:s30] =	ssyncset.done $0x0  }
0x79: {  	s19 =	simm.s32 $0x15700;
	[sflag:s30] =	ssyncadd.s32 $0xFFFFE000  }
0x7a: {  	[spmem:s4] =	stream.indirect.scatter.add.f32 [tilespmem:s14], [sflag:$0x5], $0x80, s19, s3, $0xb8;
	[tilespmem:$0x1EB00] =	vst v63  }
0x7b: {  	_ =	swait.ge [sflag:s26], $0x2000  }
0x7c: {  	[sflag:s26] =	ssyncset.done $0x0  }
0x7d: {  	[sflag:s26] =	ssyncadd.s32 $0xFFFFE000  }
0x7e: {  	[spmem:s5] =	stream.indirect.scatter.add.f32 [tilespmem:s25], [sflag:$0x5], $0x1, s19, s3, $0xb8;
	[tilespmem:$0x1EB00] =	vst v63  }
0x7f: {  	_ =	swait.ge [sflag:s26], $0x40  }
0x80: {  	[sflag:s26] =	ssyncset.done $0x0  }
0x81: {  	s15 =	simm.s32 $0x14400;
	[sflag:s26] =	ssyncadd.s32 $0xFFFFFFC0  }
0x82: {  	[tilespmem:s14], [sflag:$0x3] =	stream.indirect.gather [hbm4b:s1+s3], $0x80, s15, s3, $0xb8;
	[tilespmem:$0x1EB00] =	vst v63  }
0x83: {  	_ =	swait.ge [sflag:s31], $0x2000  }
0x84: {  	[sflag:s31] =	ssyncset.done $0x0  }
0x85: {  	s19 =	simm.s32 $0x15740;
	[sflag:s31] =	ssyncadd.s32 $0xFFFFE000  }
0x86: {  	[spmem:s4] =	stream.indirect.scatter.add.f32 [tilespmem:s16], [sflag:$0x5], $0x80, s19, s3, $0xb8;
	[tilespmem:$0x1EB00] =	vst v63  }
0x87: {  	_ =	swait.ge [sflag:s26], $0x2000  }
0x88: {  	[sflag:s26] =	ssyncset.done $0x0  }
0x89: {  	[sflag:s26] =	ssyncadd.s32 $0xFFFFE000  }
0x8a: {  	[spmem:s5] =	stream.indirect.scatter.add.f32 [tilespmem:s25], [sflag:$0x5], $0x1, s19, s3, $0xb8;
	[tilespmem:$0x1EB00] =	vst v63  }
0x8b: {  	_ =	swait.ge [sflag:s26], $0x40  }
0x8c: {  	p0 =	por p1, p1;
	[sflag:s26] =	ssyncset.done $0x0  }
0x8d: {  	s13 =	simm.s32 $0x400;
	s15 =	simm.s32 $0x14440;
	[sflag:s26] =	ssyncadd.s32 $0xFFFFFFC0  }
.LBB2_3:
0x8e: {  	[tilespmem:s16], [sflag:$0x4] =	stream.indirect.gather [hbm4b:s1+s3], $0x80, s15, s3, $0xb8;
	[tilespmem:$0x1EB00] =	vst v63  }
0x8f: {  	s15 =	smov.u32 s13  }
0x90: {  	p1 =	sne.s32 s13, $0x4400;
	s13 =	sadd.s32 $0x400, s13;
	_ =	swait.ge [sflag:s28], $0x2000  }
0x91: {  	s15 =	sshra.s32 s15, $0x2;
	[sflag:s28] =	ssyncset.done $0x0  }
0x92: {  	s19 =	sadd.s32 $0x15680, s15;
	[sflag:s28] =	ssyncadd.s32 $0xFFFFE000  }
0x93: {  	[spmem:s4] =	stream.indirect.scatter.add.f32 [tilespmem:s9], [sflag:$0x5], $0x80, s19, s3, $0xb8;
	[tilespmem:$0x1EB00] =	vst v63  }
0x94: {  	_ =	swait.ge [sflag:s26], $0x2000  }
0x95: {  	[sflag:s26] =	ssyncset.done $0x0  }
0x96: {  	[sflag:s26] =	ssyncadd.s32 $0xFFFFE000  }
0x97: {  	[spmem:s5] =	stream.indirect.scatter.add.f32 [tilespmem:s25], [sflag:$0x5], $0x1, s19, s3, $0xb8;
	[tilespmem:$0x1EB00] =	vst v63  }
0x98: {  	_ =	swait.ge [sflag:s26], $0x40  }
0x99: {  	[sflag:s26] =	ssyncset.done $0x0  }
0x9a: {  	s19 =	sadd.s32 $0x14380, s15;
	[sflag:s26] =	ssyncadd.s32 $0xFFFFFFC0  }
0x9b: {  	[tilespmem:s9], [sflag:$0x1] =	stream.indirect.gather [hbm4b:s1+s3], $0x80, s19, s3, $0xb8;
	[tilespmem:$0x1EB00] =	vst v63  }
0x9c: {  	_ =	swait.ge [sflag:s29], $0x2000  }
0x9d: {  	[sflag:s29] =	ssyncset.done $0x0  }
0x9e: {  	s19 =	sadd.s32 $0x156C0, s15;
	[sflag:s29] =	ssyncadd.s32 $0xFFFFE000  }
0x9f: {  	[spmem:s4] =	stream.indirect.scatter.add.f32 [tilespmem:s12], [sflag:$0x5], $0x80, s19, s3, $0xb8;
	[tilespmem:$0x1EB00] =	vst v63  }
0xa0: {  	_ =	swait.ge [sflag:s26], $0x2000  }
0xa1: {  	[sflag:s26] =	ssyncset.done $0x0  }
0xa2: {  	[sflag:s26] =	ssyncadd.s32 $0xFFFFE000  }
0xa3: {  	[spmem:s5] =	stream.indirect.scatter.add.f32 [tilespmem:s25], [sflag:$0x5], $0x1, s19, s3, $0xb8;
	[tilespmem:$0x1EB00] =	vst v63  }
0xa4: {  	_ =	swait.ge [sflag:s26], $0x40  }
0xa5: {  	[sflag:s26] =	ssyncset.done $0x0  }
0xa6: {  	s19 =	sadd.s32 $0x143C0, s15;
	[sflag:s26] =	ssyncadd.s32 $0xFFFFFFC0  }
0xa7: {  	[tilespmem:s12], [sflag:$0x2] =	stream.indirect.gather [hbm4b:s1+s3], $0x80, s19, s3, $0xb8;
	[tilespmem:$0x1EB00] =	vst v63  }
0xa8: {  	_ =	swait.ge [sflag:s30], $0x2000  }
0xa9: {  	[sflag:s30] =	ssyncset.done $0x0  }
0xaa: {  	s19 =	sadd.s32 $0x15700, s15;
	[sflag:s30] =	ssyncadd.s32 $0xFFFFE000  }
0xab: {  	[spmem:s4] =	stream.indirect.scatter.add.f32 [tilespmem:s14], [sflag:$0x5], $0x80, s19, s3, $0xb8;
	[tilespmem:$0x1EB00] =	vst v63  }
0xac: {  	_ =	swait.ge [sflag:s26], $0x2000  }
0xad: {  	[sflag:s26] =	ssyncset.done $0x0  }
0xae: {  	[sflag:s26] =	ssyncadd.s32 $0xFFFFE000  }
0xaf: {  	[spmem:s5] =	stream.indirect.scatter.add.f32 [tilespmem:s25], [sflag:$0x5], $0x1, s19, s3, $0xb8;
	[tilespmem:$0x1EB00] =	vst v63  }
0xb0: {  	_ =	swait.ge [sflag:s26], $0x40  }
0xb1: {  	[sflag:s26] =	ssyncset.done $0x0  }
0xb2: {  	s19 =	sadd.s32 $0x14400, s15;
	[sflag:s26] =	ssyncadd.s32 $0xFFFFFFC0  }
0xb3: {  	[tilespmem:s14], [sflag:$0x3] =	stream.indirect.gather [hbm4b:s1+s3], $0x80, s19, s3, $0xb8;
	[tilespmem:$0x1EB00] =	vst v63  }
0xb4: {  	_ =	swait.ge [sflag:s31], $0x2000  }
0xb5: {  	[sflag:s31] =	ssyncset.done $0x0  }
0xb6: {  	s19 =	sadd.s32 $0x15740, s15;
	[sflag:s31] =	ssyncadd.s32 $0xFFFFE000  }
0xb7: {  	[spmem:s4] =	stream.indirect.scatter.add.f32 [tilespmem:s16], [sflag:$0x5], $0x80, s19, s3, $0xb8;
	[tilespmem:$0x1EB00] =	vst v63  }
0xb8: {  	_ =	swait.ge [sflag:s26], $0x2000  }
0xb9: {  	[sflag:s26] =	ssyncset.done $0x0  }
.Ltmp0:
0xba: {  	[sflag:s26] =	ssyncadd.s32 $0xFFFFE000;
	(pc) =	sbr.rel @p1 .LBB2_3-.Ltmp0, $4  }
0xbb: {  	[spmem:s5] =	stream.indirect.scatter.add.f32 [tilespmem:s25], [sflag:$0x5], $0x1, s19, s3, $0xb8;
	[tilespmem:$0x1EB00] =	vst v63  }
0xbc: {  	_ =	swait.ge [sflag:s26], $0x40  }
0xbd: {  	[sflag:s26] =	ssyncset.done $0x0  }
0xbe: {  	s15 =	sadd.s32 $0x14440, s15;
	[sflag:s26] =	ssyncadd.s32 $0xFFFFFFC0  }
0xbf: {  	[tilespmem:s16], [sflag:$0x4] =	stream.indirect.gather [hbm4b:s1+s3], $0x80, s15, s3, $0xb8;
	[tilespmem:$0x1EB00] =	vst v63  }
0xc0: {  	_ =	swait.ge [sflag:s28], $0x2000  }
0xc1: {  	[sflag:s28] =	ssyncset.done $0x0  }
0xc2: {  	[sflag:s28] =	ssyncadd.s32 $0xFFFFE000  }
0xc3: {  	[spmem:s4] =	stream.indirect.scatter.add.f32 [tilespmem:s9], [sflag:$0x5], $0x80, s18, s3, $0xb8;
	[tilespmem:$0x1EB00] =	vst v63  }
0xc4: {  	_ =	swait.ge [sflag:s26], $0x2000  }
0xc5: {  	[sflag:s26] =	ssyncset.done $0x0  }
0xc6: {  	[sflag:s26] =	ssyncadd.s32 $0xFFFFE000  }
0xc7: {  	[spmem:s5] =	stream.indirect.scatter.add.f32 [tilespmem:s25], [sflag:$0x5], $0x1, s18, s3, $0xb8;
	[tilespmem:$0x1EB00] =	vst v63  }
0xc8: {  	_ =	swait.ge [sflag:s26], $0x40  }
0xc9: {  	[sflag:s26] =	ssyncset.done $0x0  }
0xca: {  	s13 =	simm.s32 $0x15580;
	[sflag:s26] =	ssyncadd.s32 $0xFFFFFFC0  }
0xcb: {  	[tilespmem:s9], [sflag:$0x1] =	stream.indirect.gather [hbm4b:s1+s3], $0x80, s13, s3, $0xb8;
	[tilespmem:$0x1EB00] =	vst v63  }
0xcc: {  	_ =	swait.ge [sflag:s29], $0x2000  }
0xcd: {  	[sflag:s29] =	ssyncset.done $0x0  }
0xce: {  	[sflag:s29] =	ssyncadd.s32 $0xFFFFE000  }
0xcf: {  	[spmem:s4] =	stream.indirect.scatter.add.f32 [tilespmem:s12], [sflag:$0x5], $0x80, s20, s3, $0xb8;
	[tilespmem:$0x1EB00] =	vst v63  }
0xd0: {  	_ =	swait.ge [sflag:s26], $0x2000  }
0xd1: {  	[sflag:s26] =	ssyncset.done $0x0  }
0xd2: {  	[sflag:s26] =	ssyncadd.s32 $0xFFFFE000  }
0xd3: {  	[spmem:s5] =	stream.indirect.scatter.add.f32 [tilespmem:s25], [sflag:$0x5], $0x1, s20, s3, $0xb8;
	[tilespmem:$0x1EB00] =	vst v63  }
0xd4: {  	_ =	swait.ge [sflag:s26], $0x40  }
0xd5: {  	[sflag:s26] =	ssyncset.done $0x0  }
0xd6: {  	[sflag:s26] =	ssyncadd.s32 $0xFFFFFFC0  }
0xd7: {  	[tilespmem:s12], [sflag:$0x2] =	stream.indirect.gather [hbm4b:s1+s3], $0x80, s21, s3, $0xb8;
	[tilespmem:$0x1EB00] =	vst v63  }
0xd8: {  	_ =	swait.ge [sflag:s30], $0x2000  }
0xd9: {  	[sflag:s30] =	ssyncset.done $0x0  }
0xda: {  	[sflag:s30] =	ssyncadd.s32 $0xFFFFE000  }
0xdb: {  	[spmem:s4] =	stream.indirect.scatter.add.f32 [tilespmem:s14], [sflag:$0x5], $0x80, s22, s3, $0xb8;
	[tilespmem:$0x1EB00] =	vst v63  }
0xdc: {  	_ =	swait.ge [sflag:s26], $0x2000  }
0xdd: {  	[sflag:s26] =	ssyncset.done $0x0  }
0xde: {  	[sflag:s26] =	ssyncadd.s32 $0xFFFFE000  }
0xdf: {  	[spmem:s5] =	stream.indirect.scatter.add.f32 [tilespmem:s25], [sflag:$0x5], $0x1, s22, s3, $0xb8;
	[tilespmem:$0x1EB00] =	vst v63  }
0xe0: {  	_ =	swait.ge [sflag:s26], $0x40  }
0xe1: {  	[sflag:s26] =	ssyncset.done $0x0  }
0xe2: {  	[sflag:s26] =	ssyncadd.s32 $0xFFFFFFC0  }
0xe3: {  	[tilespmem:s14], [sflag:$0x3] =	stream.indirect.gather [hbm4b:s1+s3], $0x80, s23, s3, $0xb8;
	[tilespmem:$0x1EB00] =	vst v63  }
0xe4: {  	_ =	swait.ge [sflag:s31], $0x2000  }
0xe5: {  	[sflag:s31] =	ssyncset.done $0x0  }
0xe6: {  	[sflag:s31] =	ssyncadd.s32 $0xFFFFE000  }
0xe7: {  	[spmem:s4] =	stream.indirect.scatter.add.f32 [tilespmem:s16], [sflag:$0x5], $0x80, s24, s3, $0xb8;
	[tilespmem:$0x1EB00] =	vst v63  }
0xe8: {  	_ =	swait.ge [sflag:s26], $0x2000  }
0xe9: {  	[sflag:s26] =	ssyncset.done $0x0  }
0xea: {  	[sflag:s26] =	ssyncadd.s32 $0xFFFFE000  }
0xeb: {  	[spmem:s5] =	stream.indirect.scatter.add.f32 [tilespmem:s25], [sflag:$0x5], $0x1, s24, s3, $0xb8;
	[tilespmem:$0x1EB00] =	vst v63  }
0xec: {  	_ =	swait.ge [sflag:s26], $0x40  }
0xed: {  	[sflag:s26] =	ssyncset.done $0x0  }
0xee: {  	[sflag:s26] =	ssyncadd.s32 $0xFFFFFFC0  }
0xef: {  	[tilespmem:s16], [sflag:$0x4] =	stream.indirect.gather [hbm4b:s1+s3], $0x80, s11, s3, $0xb8;
	[tilespmem:$0x1EB00] =	vst v63  }
0xf0: {  	_ =	swait.ge [sflag:s28], $0x2000  }
0xf1: {  	[sflag:s28] =	ssyncset.done $0x0  }
0xf2: {  	[sflag:s28] =	ssyncadd.s32 $0xFFFFE000  }
0xf3: {  	[spmem:s4] =	stream.indirect.scatter.add.f32 [tilespmem:s9], [sflag:$0x5], $0x80, s8, s3, $0xb8;
	[tilespmem:$0x1EB00] =	vst v63  }
0xf4: {  	_ =	swait.ge [sflag:s26], $0x2000  }
0xf5: {  	[sflag:s26] =	ssyncset.done $0x0  }
0xf6: {  	[sflag:s26] =	ssyncadd.s32 $0xFFFFE000  }
0xf7: {  	[spmem:s5] =	stream.indirect.scatter.add.f32 [tilespmem:s25], [sflag:$0x5], $0x1, s8, s3, $0xb8;
	[tilespmem:$0x1EB00] =	vst v63  }
0xf8: {  	_ =	swait.ge [sflag:s26], $0x40  }
0xf9: {  	[sflag:s26] =	ssyncset.done $0x0  }
0xfa: {  	[sflag:s26] =	ssyncadd.s32 $0xFFFFFFC0  }
0xfb: {  	_ =	swait.ge [sflag:s29], $0x2000  }
0xfc: {  	[sflag:s29] =	ssyncset.done $0x0  }
0xfd: {  	[sflag:s29] =	ssyncadd.s32 $0xFFFFE000  }
0xfe: {  	[spmem:s4] =	stream.indirect.scatter.add.f32 [tilespmem:s12], [sflag:$0x5], $0x80, s2, s3, $0xb8;
	[tilespmem:$0x1EB00] =	vst v63  }
0xff: {  	_ =	swait.ge [sflag:s26], $0x2000  }
0x100: {  	[sflag:s26] =	ssyncset.done $0x0  }
0x101: {  	[sflag:s26] =	ssyncadd.s32 $0xFFFFE000  }
0x102: {  	[spmem:s5] =	stream.indirect.scatter.add.f32 [tilespmem:s25], [sflag:$0x5], $0x1, s2, s3, $0xb8;
	[tilespmem:$0x1EB00] =	vst v63  }
0x103: {  	_ =	swait.ge [sflag:s26], $0x40  }
0x104: {  	[sflag:s26] =	ssyncset.done $0x0  }
0x105: {  	[sflag:s26] =	ssyncadd.s32 $0xFFFFFFC0  }
0x106: {  	_ =	swait.ge [sflag:s30], $0x2000  }
0x107: {  	[sflag:s30] =	ssyncset.done $0x0  }
0x108: {  	[sflag:s30] =	ssyncadd.s32 $0xFFFFE000  }
0x109: {  	[spmem:s4] =	stream.indirect.scatter.add.f32 [tilespmem:s14], [sflag:$0x5], $0x80, s6, s3, $0xb8;
	[tilespmem:$0x1EB00] =	vst v63  }
0x10a: {  	_ =	swait.ge [sflag:s26], $0x2000  }
0x10b: {  	[sflag:s26] =	ssyncset.done $0x0  }
0x10c: {  	[sflag:s26] =	ssyncadd.s32 $0xFFFFE000  }
0x10d: {  	[spmem:s5] =	stream.indirect.scatter.add.f32 [tilespmem:s25], [sflag:$0x5], $0x1, s6, s3, $0xb8;
	[tilespmem:$0x1EB00] =	vst v63  }
0x10e: {  	_ =	swait.ge [sflag:s26], $0x40  }
0x10f: {  	[sflag:s26] =	ssyncset.done $0x0  }
0x110: {  	[sflag:s26] =	ssyncadd.s32 $0xFFFFFFC0  }
0x111: {  	_ =	swait.ge [sflag:s31], $0x2000  }
0x112: {  	[sflag:s31] =	ssyncset.done $0x0  }
0x113: {  	[sflag:s31] =	ssyncadd.s32 $0xFFFFE000  }
0x114: {  	[spmem:s4] =	stream.indirect.scatter.add.f32 [tilespmem:s16], [sflag:$0x5], $0x80, s10, s3, $0xb8;
	[tilespmem:$0x1EB00] =	vst v63  }
0x115: {  	_ =	swait.ge [sflag:s26], $0x2000  }
0x116: {  	[sflag:s26] =	ssyncset.done $0x0  }
.Ltmp1:
0x117: {  	[sflag:s26] =	ssyncadd.s32 $0xFFFFE000;
	(pc) =	sbr.rel @p0 .LBB2_2-.Ltmp1, $4  }
0x118: {  	[spmem:s5] =	stream.indirect.scatter.add.f32 [tilespmem:s25], [sflag:$0x5], $0x1, s10, s3, $0xb8;
	[tilespmem:$0x1EB00] =	vst v63  }
0x119: {  	_ =	swait.ge [sflag:s26], $0x40  }
0x11a: {  	[sflag:s26] =	ssyncset.done $0x0  }
0x11b: {  	p1 =	por $0x0, $0x0;
	s13 =	simm.s32 $0x28;
	[sflag:s26] =	ssyncadd.s32 $0xFFFFFFC0  }
0x11c: {  	[bflag:$0x0] =	sbarrier.arrive $0xFFFF  }
0x11d: {  	s13 =	rddreg [dreg:$0xf]  }
0x11e: {  	s15 =	rddreg [dreg:$0x17]  }
0x11f: {  	s19 =	rddreg [dreg:$0x19]  }
0x120: {  	[hbm:s13], [sflag:s15] =	dma.local [spmem:s19], $0x50  }
0x121: {  	s13 =	rddreg [dreg:$0x10]  }
0x122: {  	s19 =	rddreg [dreg:$0x18]  }
0x123: {  	s21 =	rddreg [dreg:$0x1a]  }
0x124: {  	[hbm:s13], [sflag:s19] =	dma.local [spmem:s21], $0x800  }
0x125: {  	s13 =	rddreg [dreg:$0x11]  }
0x126: {  	s21 =	rddreg [dreg:$0x1b]  }
0x127: {  	s11 =	rddreg [dreg:$0x1c]  }
0x128: {  	[hbm:s13], [sflag:s21] =	dma.local [spmem:s11], $0x800  }
0x129: {  	s13 =	rddreg [dreg:$0x12]  }
0x12a: {  	s11 =	rddreg [dreg:$0x1d]  }
0x12b: {  	s21 =	rddreg [dreg:$0x1e]  }
0x12c: {  	[hbm:s13], [sflag:s11] =	dma.local [spmem:s21], $0x800  }
0x12d: {  	s13 =	rddreg [dreg:$0x13]  }
0x12e: {  	s11 =	rddreg [dreg:$0x1f]  }
0x12f: {  	[hbm:s13], [sflag:s15] =	dma.local [spmem:s11], $0x800  }
0x130: {  	s11 =	sld [smem:$0x7FD];
	_ =	sdelay $0x1  }
0x131: {  	s13 =	rddreg [dreg:$0x14]  }
0x132: {  	[hbm:s13], [sflag:s19] =	dma.local [spmem:s11], $0x800  }
0x133: {  	_ =	swait.ge [sflag:s28], $0x50  }
0x134: {  	[sflag:s28] =	ssyncset.done $0x0  }
0x135: {  	[sflag:s28] =	ssyncadd.s32 $0xFFFFFFB0  }
0x136: {  	_ =	swait.ge [sflag:s29], $0x800  }
0x137: {  	[sflag:s29] =	ssyncset.done $0x0  }
0x138: {  	[sflag:s29] =	ssyncadd.s32 $0xFFFFF800  }
0x139: {  	_ =	swait.ge [sflag:s30], $0x800  }
0x13a: {  	[sflag:s30] =	ssyncset.done $0x0  }
0x13b: {  	[sflag:s30] =	ssyncadd.s32 $0xFFFFF800  }
0x13c: {  	_ =	swait.ge [sflag:s31], $0x800  }
0x13d: {  	[sflag:s31] =	ssyncset.done $0x0  }
0x13e: {  	[sflag:s31] =	ssyncadd.s32 $0xFFFFF800  }
0x13f: {  	_ =	swait.ge [sflag:s28], $0x800  }
0x140: {  	[sflag:s28] =	ssyncset.done $0x0  }
0x141: {  	[sflag:s28] =	ssyncadd.s32 $0xFFFFF800  }
0x142: {  	_ =	swait.ge [sflag:s29], $0x800  }
0x143: {  	s21 =	rddreg [dreg:$0x16]  }
0x144: {  	s23 =	rddreg [dreg:$0x15];
	s15 =	sadd.s32 $0x1, s21  }
0x145: {  	p0 =	sne.s32 s15, s23  }
.Ltmp2:
0x146: {  	_ = 	snop;
	(pc) =	sbr.rel @p0 .LBB2_1-.Ltmp2, $3  }
0x147: {  	_ =	sdelay $0x1  }
0x148: {  	[sflag:s29] =	ssyncset.done $0x0  }
0x149: {  	[sflag:s29] =	ssyncadd.s32 $0xFFFFF800  }
0x14a: {  	_ =	sfence.sel $0x180000  }
0x14b: {  	[bflag:$0x0] =	sbarrier.arrive $0xFFFF  }
0x14c: {  	_ =	strace $0x90000047  }
0x14d: {  	s0 =	stileid.u32;
	[bflag:$0x2] =	sbarrier.arrive $0xFFFF  }
0x14e: {  	p0 =	sne.s32 s0, $0x0;
	s0 =	rddreg [dreg:$0x5]  }
0x14f: {  	s0 =	sadd.s32 @!p0 $0x100000, s0  }
0x150: {  	[sflag:s0] =	ssyncadd.tile.s32 @!p0 $0x1;
	_ =	shalt  }
.Lfunc_end2:
_tile_overlayer_lowered:
.L_overlay_start_2:
0x151: {  	(tag) =	ssettag $0x2  }
0x152: {  	s0 =	rddreg [dreg:$0x0];
	s2 =	stileid.u32  }
0x153: {  	s1 =	rddreg [dreg:$0x1];
	p0 =	sne.s32 s2, $0x0  }
0x154: {  	s3 =	rddreg [dreg:$0x2];
	[bflag:$0x3] =	sbarrier.arrive $0xFFFF;
	s2 =	simm.s32 @!p0 $0x1C05  }
0x155: {  	[timem:s3], [sflag:s2] =	dma.local @!p0 [hbm:s0], s1  }
0x156: {  	s0 =	simm.s32 @!p0 $0x5  }
0x157: {  	_ =	swait.ge @!p0 [sflag:s0], s1  }
0x158: {  	s1 =	ssub.s32 @!p0 $0x0, s1;
	[sflag:s0] =	ssyncset.done @!p0 $0x0  }
0x159: {  	[sflag:s0] =	ssyncadd.s32 @!p0 s1  }
0x15a: {  	[bflag:$0x3] =	sbarrier.arrive $0xFFFF  }
0x15b: {  	_ =	shalt  }

</sc_bundles>
